<compile_context>
chip_gen: v7x
topology: tpu7x:2x2x1
jax: 0.10.2.dev20260603
libtpu: 0.0.44.dev20260713+nightly
codegen_flags: <defaults>
</compile_context>

<pallas_src>
import jax
import jax.numpy as jnp
from jax import lax
from jax.experimental import pallas as pl
from jax.experimental.pallas import tpu as pltpu
from jax.experimental.pallas import tpu_sc as plsc

_NUM_BINS = 64
_NCAT = _NUM_BINS + 1
_NC = 2
_NS = 16
_NW = _NC * _NS
_L = 16
_CHUNK = 256
_GROUPS = _CHUNK // _L
_MMROWS = 32768


def _body(x_hbm, zeros_hbm, out_hbm,
          mmbuf, pv, xb0, xb1, buf0, buf1, idx0, idx1, shared,
          sem0, sem1, xsem0, xsem1):
    cid = lax.axis_index("c")
    sid = lax.axis_index("s")
    w = sid * _NC + cid
    n = x_hbm.shape[0]

    pltpu.sync_copy(x_hbm.at[pl.ds(sid * _MMROWS, _MMROWS)], mmbuf)

    def step(i, carry):
        cmin, cmax = carry
        xv = mmbuf[pl.ds(i * _L, _L)]
        return jnp.minimum(cmin, xv), jnp.maximum(cmax, xv)

    init = (mmbuf[pl.ds(0, _L)], mmbuf[pl.ds(0, _L)])
    vmin, vmax = lax.fori_loop(1, _MMROWS // _L, step, init, unroll=8)

    pv[0, 0, :] = vmin
    pv[0, 1, :] = vmax
    pltpu.sync_copy(pv.at[0], shared.at[sid])
    plsc.subcore_barrier()
    pltpu.sync_copy(shared, pv)

    vmin = pv[0, 0, :]
    vmax = pv[0, 1, :]
    for k in range(1, _NS):
        vmin = jnp.minimum(vmin, pv[k, 0, :])
        vmax = jnp.maximum(vmax, pv[k, 1, :])
    iota = lax.iota(jnp.int32, _L)
    for k in (1, 2, 4, 8):
        perm = jnp.bitwise_xor(iota, k)
        vmin = jnp.minimum(vmin, vmin.at[perm].get(mode="promise_in_bounds"))
        vmax = jnp.maximum(vmax, vmax.at[perm].get(mode="promise_in_bounds"))
    lo = vmin
    delta = (vmax - vmin) / jnp.float32(_NUM_BINS - 1)
    inv = jnp.float32(1.0) / delta

    rows = n // _NW
    nchunks = rows // _CHUNK
    base = w * rows

    pltpu.sync_copy(zeros_hbm, buf0)
    pltpu.sync_copy(zeros_hbm, buf1)

    onev = jnp.full((_L,), 1.0, dtype=jnp.float32)
    zerov = jnp.zeros((_L,), dtype=jnp.float32)

    def xsrc(c):
        return x_hbm.at[pl.ds(base + c * _CHUNK, _CHUNK)]

    pltpu.make_async_copy(xsrc(0), xb0, xsem0).start()
    pltpu.make_async_copy(xsrc(1), xb1, xsem1).start()

    def process(c, bufr, idxr, sem, xbr, xsem):
        @pl.when(c >= 2)
        def _():
            pltpu.make_async_copy(
                bufr, out_hbm.at[:, pl.ds(0, _CHUNK)], sem).wait()
            for r in range(_GROUPS):
                colv = iota + (r * _L)
                idxv = idxr[pl.ds(r * _L, _L)]
                plsc.store_scatter(bufr, [idxv, colv], zerov)

        pltpu.make_async_copy(xsrc(0), xbr, xsem).wait()
        for r in range(_GROUPS):
            xv = xbr[pl.ds(r * _L, _L)]
            t = (xv - lo) * inv
            idxv = jnp.minimum(t.astype(jnp.int32) + 1, _NUM_BINS)
            idxr[pl.ds(r * _L, _L)] = idxv
            colv = iota + (r * _L)
            plsc.store_scatter(bufr, [idxv, colv], onev)

        @pl.when(c + 2 < nchunks)
        def _():
            pltpu.make_async_copy(xsrc(c + 2), xbr, xsem).start()

        pltpu.make_async_copy(
            bufr,
            out_hbm.at[:, pl.ds(base + c * _CHUNK, _CHUNK)],
            sem,
        ).start()

    def body(c, _):
        slot = lax.rem(c, 2)

        @pl.when(slot == 0)
        def _():
            process(c, buf0, idx0, sem0, xb0, xsem0)

        @pl.when(slot == 1)
        def _():
            process(c, buf1, idx1, sem1, xb1, xsem1)

        return 0

    lax.fori_loop(0, nchunks, body, 0)
    pltpu.make_async_copy(buf0, out_hbm.at[:, pl.ds(0, _CHUNK)], sem0).wait()
    pltpu.make_async_copy(buf1, out_hbm.at[:, pl.ds(0, _CHUNK)], sem1).wait()


def kernel(feature):
    n = feature.shape[0]
    mesh = plsc.VectorSubcoreMesh(core_axis_name="c", subcore_axis_name="s")
    cparams = pltpu.CompilerParams(needs_layout_passes=False,
                                   use_tc_tiling_on_sc=True)
    expand = pl.kernel(
        _body,
        mesh=mesh,
        compiler_params=cparams,
        out_type=jax.ShapeDtypeStruct((_NCAT, n), jnp.float32),
        scratch_types=[
            pltpu.VMEM((_MMROWS,), jnp.float32),
            pltpu.VMEM((_NS, 2, _L), jnp.float32),
            pltpu.VMEM((_CHUNK,), jnp.float32),
            pltpu.VMEM((_CHUNK,), jnp.float32),
            pltpu.VMEM((_NCAT, _CHUNK), jnp.float32),
            pltpu.VMEM((_NCAT, _CHUNK), jnp.float32),
            pltpu.VMEM((_CHUNK,), jnp.int32),
            pltpu.VMEM((_CHUNK,), jnp.int32),
            pltpu.VMEM_SHARED((_NS, 2, _L), jnp.float32),
            pltpu.SemaphoreType.DMA,
            pltpu.SemaphoreType.DMA,
            pltpu.SemaphoreType.DMA,
            pltpu.SemaphoreType.DMA,
        ],
    )
    zeros = jnp.zeros((_NCAT, _CHUNK), jnp.float32)
    return expand(feature, zeros).T

# --- scband reference (transcript-rebuilt; emitter-appended) ---
"""Pipeline reference for scband-one-hot-constant-bins-25417616458525 (READ-ONLY COPY).

The authoritative reference and input builder live on the scoring server;
editing this copy changes nothing except your own understanding.
"""

import jax, jax.numpy as jnp
import numpy as np

NUM_BINS = 64

def setup_inputs(seed: int = 0) -> dict:
    key = jax.random.key(seed)
    feature = jax.random.normal(key, (524288,), dtype=jnp.float32)
    return {"feature": feature}

def reference(feature):
    # adapt(): bin_edges = np.linspace(min(feature), max(feature), num_bins)
    lo = jnp.min(feature)
    hi = jnp.max(feature)
    bin_edges = jnp.linspace(lo, hi, NUM_BINS)
    # keras Discretization(bin_boundaries, output_mode='one_hot'):
    # tf.raw_ops.Bucketize semantics == searchsorted side='right',
    # producing num_bins+1 categories, then one-hot encode.
    idx = jnp.searchsorted(bin_edges, feature, side='right')
    one_hot = jax.nn.one_hot(idx, NUM_BINS + 1, dtype=jnp.float32)
    return one_hot

if __name__ == "__main__":
    import jax
    _d = setup_inputs()
    print(jax.jit(kernel)(*tuple(_d.values())))

</pallas_src>

<mosaic_0001>
#map = affine_map<(d0, d1) -> (0)>
#map1 = affine_map<(d0, d1) -> (0, 0)>
module attributes {stable_mosaic.version = 14 : i64} {
  func.func @_body(%arg0: i32, %arg1: i32, %arg2: memref<524288xf32, #tpu.memory_space<hbm>>, %arg3: memref<65x256xf32, #tpu.memory_space<hbm>>, %arg4: memref<65x524288xf32, #tpu.memory_space<hbm>>, %arg5: memref<32768xf32, #tpu.memory_space<vmem>>, %arg6: memref<16x2x16xf32, #tpu.memory_space<vmem>>, %arg7: memref<256xf32, #tpu.memory_space<vmem>>, %arg8: memref<256xf32, #tpu.memory_space<vmem>>, %arg9: memref<65x256xf32, #tpu.memory_space<vmem>>, %arg10: memref<65x256xf32, #tpu.memory_space<vmem>>, %arg11: memref<256xi32, #tpu.memory_space<vmem>>, %arg12: memref<256xi32, #tpu.memory_space<vmem>>, %arg13: memref<16x2x16xf32, #tpu.memory_space<vmem_shared>>, %arg14: memref<!tpu.dma_semaphore, #tpu.memory_space<semaphore_mem>>, %arg15: memref<!tpu.dma_semaphore, #tpu.memory_space<semaphore_mem>>, %arg16: memref<!tpu.dma_semaphore, #tpu.memory_space<semaphore_mem>>, %arg17: memref<!tpu.dma_semaphore, #tpu.memory_space<semaphore_mem>>) attributes {dimension_semantics = [#tpu.dimension_semantics<core_parallel>, #tpu.dimension_semantics<subcore_parallel>], iteration_bounds = array<i64: 2, 16>, scalar_prefetch = 0 : i64, scratch_operands = 13 : i64, tpu.core_type = #tpu.core_type<sc_vector_subcore>, window_params = [{transform_indices = #map}, {transform_indices = #map1}, {transform_indices = #map1}]} {
    %mul3A = arith.constant 2 : i32
    %mul3A_0 = arith.muli %arg1, %mul3A : i32
    %add3A = arith.addi %mul3A_0, %arg0 : i32
    %mul3A_1 = arith.constant 32768 : i32
    %mul3A_2 = arith.muli %arg1, %mul3A_1 : i32
    "tpu.region"() ({
      %run_scoped3A_429 = tpu.sem_alloc : memref<!tpu.dma_semaphore, #tpu.memory_space<semaphore_mem>>
      %dma_start3A_430 = tpu.memref_slice %arg2[%mul3A_2] : memref<524288xf32, #tpu.memory_space<hbm>> -> memref<32768xf32, #tpu.memory_space<hbm>>
      %dma_start3A_431 = tpu.memref_slice %arg2[%mul3A_2] : memref<524288xf32, #tpu.memory_space<hbm>> -> memref<32768xf32, #tpu.memory_space<hbm>>
      tpu.enqueue_dma source(%dma_start3A_431 : memref<32768xf32, #tpu.memory_space<hbm>>) target(%arg5 : memref<32768xf32, #tpu.memory_space<vmem>>) target_semaphore(%run_scoped3A_429 : memref<!tpu.dma_semaphore, #tpu.memory_space<semaphore_mem>>)
      %dma_wait3A_432 = tpu.memref_slice %arg2[%mul3A_2] : memref<524288xf32, #tpu.memory_space<hbm>> -> memref<32768xf32, #tpu.memory_space<hbm>>
      %dma_wait3A_433 = tpu.memref_slice %arg2[%mul3A_2] : memref<524288xf32, #tpu.memory_space<hbm>> -> memref<32768xf32, #tpu.memory_space<hbm>>
      tpu.wait_dma2 semaphore(%run_scoped3A_429 : memref<!tpu.dma_semaphore, #tpu.memory_space<semaphore_mem>>) src(%dma_wait3A_433 : memref<32768xf32, #tpu.memory_space<hbm>>) dst(%arg5 : memref<32768xf32, #tpu.memory_space<vmem>>)
      tpu.yield
    }) : () -> ()
    %get3A = arith.constant 0 : index
    %get3A_3 = tpu.vector_load %arg5[%get3A] {strides = array<i32>} : memref<32768xf32, #tpu.memory_space<vmem>>, vector<16xf32>,
    %get3A_4 = arith.constant 0 : index
    %get3A_5 = tpu.vector_load %arg5[%get3A_4] {strides = array<i32>} : memref<32768xf32, #tpu.memory_space<vmem>>, vector<16xf32>,
    %scan3A = arith.constant 1 : i32
    %scan3A_6 = arith.constant 2040 : i32
    %scan3A_7 = arith.addi %scan3A, %scan3A_6 : i32
    %scan3A_8 = arith.constant 8 : i32
    %scan3A_9:2 = scf.for %scan3A_429 = %scan3A to %scan3A_7 step %scan3A_8 iter_args(%scan3A_430 = %get3A_3, %scan3A_431 = %get3A_5) -> (vector<16xf32>, vector<16xf32>)  : i32 {
      %mul3A_432 = arith.constant 16 : i32
      %mul3A_433 = arith.muli %scan3A_429, %mul3A_432 : i32
      %get3A_434 = arith.index_cast %mul3A_433 : i32 to index
      %get3A_435 = tpu.vector_load %arg5[%get3A_434] {strides = array<i32>} : memref<32768xf32, #tpu.memory_space<vmem>>, vector<16xf32>,
      %min3A_436 = arith.minimumf %scan3A_430, %get3A_435 : vector<16xf32>
      %max3A_437 = arith.maximumf %scan3A_431, %get3A_435 : vector<16xf32>
      %scan3A_438 = arith.constant 1 : i32
      %scan3A_439 = arith.addi %scan3A_429, %scan3A_438 : i32
      %mul3A_440 = arith.constant 16 : i32
      %mul3A_441 = arith.muli %scan3A_439, %mul3A_440 : i32
      %get3A_442 = arith.index_cast %mul3A_441 : i32 to index
      %get3A_443 = tpu.vector_load %arg5[%get3A_442] {strides = array<i32>} : memref<32768xf32, #tpu.memory_space<vmem>>, vector<16xf32>,
      %min3A_444 = arith.minimumf %min3A_436, %get3A_443 : vector<16xf32>
      %max3A_445 = arith.maximumf %max3A_437, %get3A_443 : vector<16xf32>
      %scan3A_446 = arith.constant 2 : i32
      %scan3A_447 = arith.addi %scan3A_429, %scan3A_446 : i32
      %mul3A_448 = arith.constant 16 : i32
      %mul3A_449 = arith.muli %scan3A_447, %mul3A_448 : i32
      %get3A_450 = arith.index_cast %mul3A_449 : i32 to index
      %get3A_451 = tpu.vector_load %arg5[%get3A_450] {strides = array<i32>} : memref<32768xf32, #tpu.memory_space<vmem>>, vector<16xf32>,
      %min3A_452 = arith.minimumf %min3A_444, %get3A_451 : vector<16xf32>
      %max3A_453 = arith.maximumf %max3A_445, %get3A_451 : vector<16xf32>
      %scan3A_454 = arith.constant 3 : i32
      %scan3A_455 = arith.addi %scan3A_429, %scan3A_454 : i32
      %mul3A_456 = arith.constant 16 : i32
      %mul3A_457 = arith.muli %scan3A_455, %mul3A_456 : i32
      %get3A_458 = arith.index_cast %mul3A_457 : i32 to index
      %get3A_459 = tpu.vector_load %arg5[%get3A_458] {strides = array<i32>} : memref<32768xf32, #tpu.memory_space<vmem>>, vector<16xf32>,
      %min3A_460 = arith.minimumf %min3A_452, %get3A_459 : vector<16xf32>
      %max3A_461 = arith.maximumf %max3A_453, %get3A_459 : vector<16xf32>
      %scan3A_462 = arith.constant 4 : i32
      %scan3A_463 = arith.addi %scan3A_429, %scan3A_462 : i32
      %mul3A_464 = arith.constant 16 : i32
      %mul3A_465 = arith.muli %scan3A_463, %mul3A_464 : i32
      %get3A_466 = arith.index_cast %mul3A_465 : i32 to index
      %get3A_467 = tpu.vector_load %arg5[%get3A_466] {strides = array<i32>} : memref<32768xf32, #tpu.memory_space<vmem>>, vector<16xf32>,
      %min3A_468 = arith.minimumf %min3A_460, %get3A_467 : vector<16xf32>
      %max3A_469 = arith.maximumf %max3A_461, %get3A_467 : vector<16xf32>
      %scan3A_470 = arith.constant 5 : i32
      %scan3A_471 = arith.addi %scan3A_429, %scan3A_470 : i32
      %mul3A_472 = arith.constant 16 : i32
      %mul3A_473 = arith.muli %scan3A_471, %mul3A_472 : i32
      %get3A_474 = arith.index_cast %mul3A_473 : i32 to index
      %get3A_475 = tpu.vector_load %arg5[%get3A_474] {strides = array<i32>} : memref<32768xf32, #tpu.memory_space<vmem>>, vector<16xf32>,
      %min3A_476 = arith.minimumf %min3A_468, %get3A_475 : vector<16xf32>
      %max3A_477 = arith.maximumf %max3A_469, %get3A_475 : vector<16xf32>
      %scan3A_478 = arith.constant 6 : i32
      %scan3A_479 = arith.addi %scan3A_429, %scan3A_478 : i32
      %mul3A_480 = arith.constant 16 : i32
      %mul3A_481 = arith.muli %scan3A_479, %mul3A_480 : i32
      %get3A_482 = arith.index_cast %mul3A_481 : i32 to index
      %get3A_483 = tpu.vector_load %arg5[%get3A_482] {strides = array<i32>} : memref<32768xf32, #tpu.memory_space<vmem>>, vector<16xf32>,
      %min3A_484 = arith.minimumf %min3A_476, %get3A_483 : vector<16xf32>
      %max3A_485 = arith.maximumf %max3A_477, %get3A_483 : vector<16xf32>
      %scan3A_486 = arith.constant 7 : i32
      %scan3A_487 = arith.addi %scan3A_429, %scan3A_486 : i32
      %mul3A_488 = arith.constant 16 : i32
      %mul3A_489 = arith.muli %scan3A_487, %mul3A_488 : i32
      %get3A_490 = arith.index_cast %mul3A_489 : i32 to index
      %get3A_491 = tpu.vector_load %arg5[%get3A_490] {strides = array<i32>} : memref<32768xf32, #tpu.memory_space<vmem>>, vector<16xf32>,
      %min3A_492 = arith.minimumf %min3A_484, %get3A_491 : vector<16xf32>
      %max3A_493 = arith.maximumf %max3A_485, %get3A_491 : vector<16xf32>
      scf.yield %min3A_492, %max3A_493 : vector<16xf32>, vector<16xf32>
    }
    %scan3A_10 = arith.constant 2040 : i32
    %scan3A_11 = arith.addi %scan3A, %scan3A_10 : i32
    %mul3A_12 = arith.constant 16 : i32
    %mul3A_13 = arith.muli %scan3A_11, %mul3A_12 : i32
    %get3A_14 = arith.index_cast %mul3A_13 : i32 to index
    %get3A_15 = tpu.vector_load %arg5[%get3A_14] {strides = array<i32>} : memref<32768xf32, #tpu.memory_space<vmem>>, vector<16xf32>,
    %min3A = arith.minimumf %scan3A_9#0, %get3A_15 : vector<16xf32>
    %max3A = arith.maximumf %scan3A_9#1, %get3A_15 : vector<16xf32>
    %scan3A_16 = arith.constant 2041 : i32
    %scan3A_17 = arith.addi %scan3A, %scan3A_16 : i32
    %mul3A_18 = arith.constant 16 : i32
    %mul3A_19 = arith.muli %scan3A_17, %mul3A_18 : i32
    %get3A_20 = arith.index_cast %mul3A_19 : i32 to index
    %get3A_21 = tpu.vector_load %arg5[%get3A_20] {strides = array<i32>} : memref<32768xf32, #tpu.memory_space<vmem>>, vector<16xf32>,
    %min3A_22 = arith.minimumf %min3A, %get3A_21 : vector<16xf32>
    %max3A_23 = arith.maximumf %max3A, %get3A_21 : vector<16xf32>
    %scan3A_24 = arith.constant 2042 : i32
    %scan3A_25 = arith.addi %scan3A, %scan3A_24 : i32
    %mul3A_26 = arith.constant 16 : i32
    %mul3A_27 = arith.muli %scan3A_25, %mul3A_26 : i32
    %get3A_28 = arith.index_cast %mul3A_27 : i32 to index
    %get3A_29 = tpu.vector_load %arg5[%get3A_28] {strides = array<i32>} : memref<32768xf32, #tpu.memory_space<vmem>>, vector<16xf32>,
    %min3A_30 = arith.minimumf %min3A_22, %get3A_29 : vector<16xf32>
    %max3A_31 = arith.maximumf %max3A_23, %get3A_29 : vector<16xf32>
    %scan3A_32 = arith.constant 2043 : i32
    %scan3A_33 = arith.addi %scan3A, %scan3A_32 : i32
    %mul3A_34 = arith.constant 16 : i32
    %mul3A_35 = arith.muli %scan3A_33, %mul3A_34 : i32
    %get3A_36 = arith.index_cast %mul3A_35 : i32 to index
    %get3A_37 = tpu.vector_load %arg5[%get3A_36] {strides = array<i32>} : memref<32768xf32, #tpu.memory_space<vmem>>, vector<16xf32>,
    %min3A_38 = arith.minimumf %min3A_30, %get3A_37 : vector<16xf32>
    %max3A_39 = arith.maximumf %max3A_31, %get3A_37 : vector<16xf32>
    %scan3A_40 = arith.constant 2044 : i32
    %scan3A_41 = arith.addi %scan3A, %scan3A_40 : i32
    %mul3A_42 = arith.constant 16 : i32
    %mul3A_43 = arith.muli %scan3A_41, %mul3A_42 : i32
    %get3A_44 = arith.index_cast %mul3A_43 : i32 to index
    %get3A_45 = tpu.vector_load %arg5[%get3A_44] {strides = array<i32>} : memref<32768xf32, #tpu.memory_space<vmem>>, vector<16xf32>,
    %min3A_46 = arith.minimumf %min3A_38, %get3A_45 : vector<16xf32>
    %max3A_47 = arith.maximumf %max3A_39, %get3A_45 : vector<16xf32>
    %scan3A_48 = arith.constant 2045 : i32
    %scan3A_49 = arith.addi %scan3A, %scan3A_48 : i32
    %mul3A_50 = arith.constant 16 : i32
    %mul3A_51 = arith.muli %scan3A_49, %mul3A_50 : i32
    %get3A_52 = arith.index_cast %mul3A_51 : i32 to index
    %get3A_53 = tpu.vector_load %arg5[%get3A_52] {strides = array<i32>} : memref<32768xf32, #tpu.memory_space<vmem>>, vector<16xf32>,
    %min3A_54 = arith.minimumf %min3A_46, %get3A_53 : vector<16xf32>
    %max3A_55 = arith.maximumf %max3A_47, %get3A_53 : vector<16xf32>
    %scan3A_56 = arith.constant 2046 : i32
    %scan3A_57 = arith.addi %scan3A, %scan3A_56 : i32
    %mul3A_58 = arith.constant 16 : i32
    %mul3A_59 = arith.muli %scan3A_57, %mul3A_58 : i32
    %get3A_60 = arith.index_cast %mul3A_59 : i32 to index
    %get3A_61 = tpu.vector_load %arg5[%get3A_60] {strides = array<i32>} : memref<32768xf32, #tpu.memory_space<vmem>>, vector<16xf32>,
    %min3A_62 = arith.minimumf %min3A_54, %get3A_61 : vector<16xf32>
    %max3A_63 = arith.maximumf %max3A_55, %get3A_61 : vector<16xf32>
    %scan3A_64 = arith.constant 2047 : i32
    %swap3A = arith.constant 0 : i32
    %swap3A_65 = arith.constant 0 : i32
    %swap3A_66 = arith.index_cast %swap3A : i32 to index
    %swap3A_67 = arith.index_cast %swap3A_65 : i32 to index
    %swap3A_68 = arith.constant 0 : index
    %swap3A_69 = tpu.vector_load %arg6[%swap3A_66, %swap3A_67, %swap3A_68] {strides = array<i32>} : memref<16x2x16xf32, #tpu.memory_space<vmem>>, vector<16xf32>,
    tpu.vector_store %arg6[%swap3A_66, %swap3A_67, %swap3A_68], %min3A_62 {strides = array<i32>} : memref<16x2x16xf32, #tpu.memory_space<vmem>>, vector<16xf32>,
    %swap3A_70 = arith.constant 0 : i32
    %swap3A_71 = arith.constant 1 : i32
    %swap3A_72 = arith.index_cast %swap3A_70 : i32 to index
    %swap3A_73 = arith.index_cast %swap3A_71 : i32 to index
    %swap3A_74 = arith.constant 0 : index
    %swap3A_75 = tpu.vector_load %arg6[%swap3A_72, %swap3A_73, %swap3A_74] {strides = array<i32>} : memref<16x2x16xf32, #tpu.memory_space<vmem>>, vector<16xf32>,
    tpu.vector_store %arg6[%swap3A_72, %swap3A_73, %swap3A_74], %max3A_63 {strides = array<i32>} : memref<16x2x16xf32, #tpu.memory_space<vmem>>, vector<16xf32>,
    %run_scoped3A = arith.constant 0 : i32
    "tpu.region"() ({
      %run_scoped3A_429 = tpu.sem_alloc : memref<!tpu.dma_semaphore, #tpu.memory_space<semaphore_mem>>
      %dma_start3A_430 = arith.constant 0 : i32
      %dma_start3A_431 = arith.constant 0 : i32
      %dma_start3A_432 = tpu.memref_slice %arg6[%run_scoped3A, %dma_start3A_430, %dma_start3A_431] : memref<16x2x16xf32, #tpu.memory_space<vmem>> -> memref<1x2x16xf32, #tpu.memory_space<vmem>>
      %dma_start3A_433 = tpu.memref_squeeze %dma_start3A_432 : memref<1x2x16xf32, #tpu.memory_space<vmem>> -> memref<2x16xf32, #tpu.memory_space<vmem>>
      %dma_start3A_434 = arith.constant 0 : i32
      %dma_start3A_435 = arith.constant 0 : i32
      %dma_start3A_436 = tpu.memref_slice %arg13[%arg1, %dma_start3A_434, %dma_start3A_435] : memref<16x2x16xf32, #tpu.memory_space<vmem_shared>> -> memref<1x2x16xf32, #tpu.memory_space<vmem_shared>>
      %dma_start3A_437 = tpu.memref_squeeze %dma_start3A_436 : memref<1x2x16xf32, #tpu.memory_space<vmem_shared>> -> memref<2x16xf32, #tpu.memory_space<vmem_shared>>
      %dma_start3A_438 = arith.constant 0 : i32
      %dma_start3A_439 = arith.constant 0 : i32
      %dma_start3A_440 = tpu.memref_slice %arg13[%arg1, %dma_start3A_438, %dma_start3A_439] : memref<16x2x16xf32, #tpu.memory_space<vmem_shared>> -> memref<1x2x16xf32, #tpu.memory_space<vmem_shared>>
      %dma_start3A_441 = tpu.memref_squeeze %dma_start3A_440 : memref<1x2x16xf32, #tpu.memory_space<vmem_shared>> -> memref<2x16xf32, #tpu.memory_space<vmem_shared>>
      %dma_start3A_442 = arith.constant 0 : i32
      %dma_start3A_443 = arith.constant 0 : i32
      %dma_start3A_444 = tpu.memref_slice %arg6[%run_scoped3A, %dma_start3A_442, %dma_start3A_443] : memref<16x2x16xf32, #tpu.memory_space<vmem>> -> memref<1x2x16xf32, #tpu.memory_space<vmem>>
      %dma_start3A_445 = tpu.memref_squeeze %dma_start3A_444 : memref<1x2x16xf32, #tpu.memory_space<vmem>> -> memref<2x16xf32, #tpu.memory_space<vmem>>
      tpu.enqueue_dma source(%dma_start3A_445 : memref<2x16xf32, #tpu.memory_space<vmem>>) target(%dma_start3A_441 : memref<2x16xf32, #tpu.memory_space<vmem_shared>>) target_semaphore(%run_scoped3A_429 : memref<!tpu.dma_semaphore, #tpu.memory_space<semaphore_mem>>)
      %dma_wait3A_446 = arith.constant 0 : i32
      %dma_wait3A_447 = arith.constant 0 : i32
      %dma_wait3A_448 = tpu.memref_slice %arg6[%run_scoped3A, %dma_wait3A_446, %dma_wait3A_447] : memref<16x2x16xf32, #tpu.memory_space<vmem>> -> memref<1x2x16xf32, #tpu.memory_space<vmem>>
      %dma_wait3A_449 = tpu.memref_squeeze %dma_wait3A_448 : memref<1x2x16xf32, #tpu.memory_space<vmem>> -> memref<2x16xf32, #tpu.memory_space<vmem>>
      %dma_wait3A_450 = arith.constant 0 : i32
      %dma_wait3A_451 = arith.constant 0 : i32
      %dma_wait3A_452 = tpu.memref_slice %arg13[%arg1, %dma_wait3A_450, %dma_wait3A_451] : memref<16x2x16xf32, #tpu.memory_space<vmem_shared>> -> memref<1x2x16xf32, #tpu.memory_space<vmem_shared>>
      %dma_wait3A_453 = tpu.memref_squeeze %dma_wait3A_452 : memref<1x2x16xf32, #tpu.memory_space<vmem_shared>> -> memref<2x16xf32, #tpu.memory_space<vmem_shared>>
      %dma_wait3A_454 = arith.constant 0 : i32
      %dma_wait3A_455 = arith.constant 0 : i32
      %dma_wait3A_456 = tpu.memref_slice %arg13[%arg1, %dma_wait3A_454, %dma_wait3A_455] : memref<16x2x16xf32, #tpu.memory_space<vmem_shared>> -> memref<1x2x16xf32, #tpu.memory_space<vmem_shared>>
      %dma_wait3A_457 = tpu.memref_squeeze %dma_wait3A_456 : memref<1x2x16xf32, #tpu.memory_space<vmem_shared>> -> memref<2x16xf32, #tpu.memory_space<vmem_shared>>
      %dma_wait3A_458 = arith.constant 0 : i32
      %dma_wait3A_459 = arith.constant 0 : i32
      %dma_wait3A_460 = tpu.memref_slice %arg6[%run_scoped3A, %dma_wait3A_458, %dma_wait3A_459] : memref<16x2x16xf32, #tpu.memory_space<vmem>> -> memref<1x2x16xf32, #tpu.memory_space<vmem>>
      %dma_wait3A_461 = tpu.memref_squeeze %dma_wait3A_460 : memref<1x2x16xf32, #tpu.memory_space<vmem>> -> memref<2x16xf32, #tpu.memory_space<vmem>>
      tpu.wait_dma2 semaphore(%run_scoped3A_429 : memref<!tpu.dma_semaphore, #tpu.memory_space<semaphore_mem>>) src(%dma_wait3A_461 : memref<2x16xf32, #tpu.memory_space<vmem>>) dst(%dma_wait3A_457 : memref<2x16xf32, #tpu.memory_space<vmem_shared>>)
      tpu.yield
    }) : () -> ()
    %barrier3A = arith.constant 0 : index
    tpu.barrier barrier_id(%barrier3A)
    "tpu.region"() ({
      %run_scoped3A_429 = tpu.sem_alloc : memref<!tpu.dma_semaphore, #tpu.memory_space<semaphore_mem>>
      tpu.enqueue_dma source(%arg13 : memref<16x2x16xf32, #tpu.memory_space<vmem_shared>>) target(%arg6 : memref<16x2x16xf32, #tpu.memory_space<vmem>>) target_semaphore(%run_scoped3A_429 : memref<!tpu.dma_semaphore, #tpu.memory_space<semaphore_mem>>)
      tpu.wait_dma2 semaphore(%run_scoped3A_429 : memref<!tpu.dma_semaphore, #tpu.memory_space<semaphore_mem>>) src(%arg13 : memref<16x2x16xf32, #tpu.memory_space<vmem_shared>>) dst(%arg6 : memref<16x2x16xf32, #tpu.memory_space<vmem>>)
      tpu.yield
    }) : () -> ()
    %get3A_76 = arith.constant 0 : i32
    %get3A_77 = arith.constant 0 : i32
    %get3A_78 = arith.index_cast %get3A_76 : i32 to index
    %get3A_79 = arith.index_cast %get3A_77 : i32 to index
    %get3A_80 = arith.constant 0 : index
    %get3A_81 = tpu.vector_load %arg6[%get3A_78, %get3A_79, %get3A_80] {strides = array<i32>} : memref<16x2x16xf32, #tpu.memory_space<vmem>>, vector<16xf32>,
    %get3A_82 = arith.constant 0 : i32
    %get3A_83 = arith.constant 1 : i32
    %get3A_84 = arith.index_cast %get3A_82 : i32 to index
    %get3A_85 = arith.index_cast %get3A_83 : i32 to index
    %get3A_86 = arith.constant 0 : index
    %get3A_87 = tpu.vector_load %arg6[%get3A_84, %get3A_85, %get3A_86] {strides = array<i32>} : memref<16x2x16xf32, #tpu.memory_space<vmem>>, vector<16xf32>,
    %get3A_88 = arith.constant 1 : i32
    %get3A_89 = arith.constant 0 : i32
    %get3A_90 = arith.index_cast %get3A_88 : i32 to index
    %get3A_91 = arith.index_cast %get3A_89 : i32 to index
    %get3A_92 = arith.constant 0 : index
    %get3A_93 = tpu.vector_load %arg6[%get3A_90, %get3A_91, %get3A_92] {strides = array<i32>} : memref<16x2x16xf32, #tpu.memory_space<vmem>>, vector<16xf32>,
    %min3A_94 = arith.minimumf %get3A_81, %get3A_93 : vector<16xf32>
    %get3A_95 = arith.constant 1 : i32
    %get3A_96 = arith.constant 1 : i32
    %get3A_97 = arith.index_cast %get3A_95 : i32 to index
    %get3A_98 = arith.index_cast %get3A_96 : i32 to index
    %get3A_99 = arith.constant 0 : index
    %get3A_100 = tpu.vector_load %arg6[%get3A_97, %get3A_98, %get3A_99] {strides = array<i32>} : memref<16x2x16xf32, #tpu.memory_space<vmem>>, vector<16xf32>,
    %max3A_101 = arith.maximumf %get3A_87, %get3A_100 : vector<16xf32>
    %get3A_102 = arith.constant 2 : i32
    %get3A_103 = arith.constant 0 : i32
    %get3A_104 = arith.index_cast %get3A_102 : i32 to index
    %get3A_105 = arith.index_cast %get3A_103 : i32 to index
    %get3A_106 = arith.constant 0 : index
    %get3A_107 = tpu.vector_load %arg6[%get3A_104, %get3A_105, %get3A_106] {strides = array<i32>} : memref<16x2x16xf32, #tpu.memory_space<vmem>>, vector<16xf32>,
    %min3A_108 = arith.minimumf %min3A_94, %get3A_107 : vector<16xf32>
    %get3A_109 = arith.constant 2 : i32
    %get3A_110 = arith.constant 1 : i32
    %get3A_111 = arith.index_cast %get3A_109 : i32 to index
    %get3A_112 = arith.index_cast %get3A_110 : i32 to index
    %get3A_113 = arith.constant 0 : index
    %get3A_114 = tpu.vector_load %arg6[%get3A_111, %get3A_112, %get3A_113] {strides = array<i32>} : memref<16x2x16xf32, #tpu.memory_space<vmem>>, vector<16xf32>,
    %max3A_115 = arith.maximumf %max3A_101, %get3A_114 : vector<16xf32>
    %get3A_116 = arith.constant 3 : i32
    %get3A_117 = arith.constant 0 : i32
    %get3A_118 = arith.index_cast %get3A_116 : i32 to index
    %get3A_119 = arith.index_cast %get3A_117 : i32 to index
    %get3A_120 = arith.constant 0 : index
    %get3A_121 = tpu.vector_load %arg6[%get3A_118, %get3A_119, %get3A_120] {strides = array<i32>} : memref<16x2x16xf32, #tpu.memory_space<vmem>>, vector<16xf32>,
    %min3A_122 = arith.minimumf %min3A_108, %get3A_121 : vector<16xf32>
    %get3A_123 = arith.constant 3 : i32
    %get3A_124 = arith.constant 1 : i32
    %get3A_125 = arith.index_cast %get3A_123 : i32 to index
    %get3A_126 = arith.index_cast %get3A_124 : i32 to index
    %get3A_127 = arith.constant 0 : index
    %get3A_128 = tpu.vector_load %arg6[%get3A_125, %get3A_126, %get3A_127] {strides = array<i32>} : memref<16x2x16xf32, #tpu.memory_space<vmem>>, vector<16xf32>,
    %max3A_129 = arith.maximumf %max3A_115, %get3A_128 : vector<16xf32>
    %get3A_130 = arith.constant 4 : i32
    %get3A_131 = arith.constant 0 : i32
    %get3A_132 = arith.index_cast %get3A_130 : i32 to index
    %get3A_133 = arith.index_cast %get3A_131 : i32 to index
    %get3A_134 = arith.constant 0 : index
    %get3A_135 = tpu.vector_load %arg6[%get3A_132, %get3A_133, %get3A_134] {strides = array<i32>} : memref<16x2x16xf32, #tpu.memory_space<vmem>>, vector<16xf32>,
    %min3A_136 = arith.minimumf %min3A_122, %get3A_135 : vector<16xf32>
    %get3A_137 = arith.constant 4 : i32
    %get3A_138 = arith.constant 1 : i32
    %get3A_139 = arith.index_cast %get3A_137 : i32 to index
    %get3A_140 = arith.index_cast %get3A_138 : i32 to index
    %get3A_141 = arith.constant 0 : index
    %get3A_142 = tpu.vector_load %arg6[%get3A_139, %get3A_140, %get3A_141] {strides = array<i32>} : memref<16x2x16xf32, #tpu.memory_space<vmem>>, vector<16xf32>,
    %max3A_143 = arith.maximumf %max3A_129, %get3A_142 : vector<16xf32>
    %get3A_144 = arith.constant 5 : i32
    %get3A_145 = arith.constant 0 : i32
    %get3A_146 = arith.index_cast %get3A_144 : i32 to index
    %get3A_147 = arith.index_cast %get3A_145 : i32 to index
    %get3A_148 = arith.constant 0 : index
    %get3A_149 = tpu.vector_load %arg6[%get3A_146, %get3A_147, %get3A_148] {strides = array<i32>} : memref<16x2x16xf32, #tpu.memory_space<vmem>>, vector<16xf32>,
    %min3A_150 = arith.minimumf %min3A_136, %get3A_149 : vector<16xf32>
    %get3A_151 = arith.constant 5 : i32
    %get3A_152 = arith.constant 1 : i32
    %get3A_153 = arith.index_cast %get3A_151 : i32 to index
    %get3A_154 = arith.index_cast %get3A_152 : i32 to index
    %get3A_155 = arith.constant 0 : index
    %get3A_156 = tpu.vector_load %arg6[%get3A_153, %get3A_154, %get3A_155] {strides = array<i32>} : memref<16x2x16xf32, #tpu.memory_space<vmem>>, vector<16xf32>,
    %max3A_157 = arith.maximumf %max3A_143, %get3A_156 : vector<16xf32>
    %get3A_158 = arith.constant 6 : i32
    %get3A_159 = arith.constant 0 : i32
    %get3A_160 = arith.index_cast %get3A_158 : i32 to index
    %get3A_161 = arith.index_cast %get3A_159 : i32 to index
    %get3A_162 = arith.constant 0 : index
    %get3A_163 = tpu.vector_load %arg6[%get3A_160, %get3A_161, %get3A_162] {strides = array<i32>} : memref<16x2x16xf32, #tpu.memory_space<vmem>>, vector<16xf32>,
    %min3A_164 = arith.minimumf %min3A_150, %get3A_163 : vector<16xf32>
    %get3A_165 = arith.constant 6 : i32
    %get3A_166 = arith.constant 1 : i32
    %get3A_167 = arith.index_cast %get3A_165 : i32 to index
    %get3A_168 = arith.index_cast %get3A_166 : i32 to index
    %get3A_169 = arith.constant 0 : index
    %get3A_170 = tpu.vector_load %arg6[%get3A_167, %get3A_168, %get3A_169] {strides = array<i32>} : memref<16x2x16xf32, #tpu.memory_space<vmem>>, vector<16xf32>,
    %max3A_171 = arith.maximumf %max3A_157, %get3A_170 : vector<16xf32>
    %get3A_172 = arith.constant 7 : i32
    %get3A_173 = arith.constant 0 : i32
    %get3A_174 = arith.index_cast %get3A_172 : i32 to index
    %get3A_175 = arith.index_cast %get3A_173 : i32 to index
    %get3A_176 = arith.constant 0 : index
    %get3A_177 = tpu.vector_load %arg6[%get3A_174, %get3A_175, %get3A_176] {strides = array<i32>} : memref<16x2x16xf32, #tpu.memory_space<vmem>>, vector<16xf32>,
    %min3A_178 = arith.minimumf %min3A_164, %get3A_177 : vector<16xf32>
    %get3A_179 = arith.constant 7 : i32
    %get3A_180 = arith.constant 1 : i32
    %get3A_181 = arith.index_cast %get3A_179 : i32 to index
    %get3A_182 = arith.index_cast %get3A_180 : i32 to index
    %get3A_183 = arith.constant 0 : index
    %get3A_184 = tpu.vector_load %arg6[%get3A_181, %get3A_182, %get3A_183] {strides = array<i32>} : memref<16x2x16xf32, #tpu.memory_space<vmem>>, vector<16xf32>,
    %max3A_185 = arith.maximumf %max3A_171, %get3A_184 : vector<16xf32>
    %get3A_186 = arith.constant 8 : i32
    %get3A_187 = arith.constant 0 : i32
    %get3A_188 = arith.index_cast %get3A_186 : i32 to index
    %get3A_189 = arith.index_cast %get3A_187 : i32 to index
    %get3A_190 = arith.constant 0 : index
    %get3A_191 = tpu.vector_load %arg6[%get3A_188, %get3A_189, %get3A_190] {strides = array<i32>} : memref<16x2x16xf32, #tpu.memory_space<vmem>>, vector<16xf32>,
    %min3A_192 = arith.minimumf %min3A_178, %get3A_191 : vector<16xf32>
    %get3A_193 = arith.constant 8 : i32
    %get3A_194 = arith.constant 1 : i32
    %get3A_195 = arith.index_cast %get3A_193 : i32 to index
    %get3A_196 = arith.index_cast %get3A_194 : i32 to index
    %get3A_197 = arith.constant 0 : index
    %get3A_198 = tpu.vector_load %arg6[%get3A_195, %get3A_196, %get3A_197] {strides = array<i32>} : memref<16x2x16xf32, #tpu.memory_space<vmem>>, vector<16xf32>,
    %max3A_199 = arith.maximumf %max3A_185, %get3A_198 : vector<16xf32>
    %get3A_200 = arith.constant 9 : i32
    %get3A_201 = arith.constant 0 : i32
    %get3A_202 = arith.index_cast %get3A_200 : i32 to index
    %get3A_203 = arith.index_cast %get3A_201 : i32 to index
    %get3A_204 = arith.constant 0 : index
    %get3A_205 = tpu.vector_load %arg6[%get3A_202, %get3A_203, %get3A_204] {strides = array<i32>} : memref<16x2x16xf32, #tpu.memory_space<vmem>>, vector<16xf32>,
    %min3A_206 = arith.minimumf %min3A_192, %get3A_205 : vector<16xf32>
    %get3A_207 = arith.constant 9 : i32
    %get3A_208 = arith.constant 1 : i32
    %get3A_209 = arith.index_cast %get3A_207 : i32 to index
    %get3A_210 = arith.index_cast %get3A_208 : i32 to index
    %get3A_211 = arith.constant 0 : index
    %get3A_212 = tpu.vector_load %arg6[%get3A_209, %get3A_210, %get3A_211] {strides = array<i32>} : memref<16x2x16xf32, #tpu.memory_space<vmem>>, vector<16xf32>,
    %max3A_213 = arith.maximumf %max3A_199, %get3A_212 : vector<16xf32>
    %get3A_214 = arith.constant 10 : i32
    %get3A_215 = arith.constant 0 : i32
    %get3A_216 = arith.index_cast %get3A_214 : i32 to index
    %get3A_217 = arith.index_cast %get3A_215 : i32 to index
    %get3A_218 = arith.constant 0 : index
    %get3A_219 = tpu.vector_load %arg6[%get3A_216, %get3A_217, %get3A_218] {strides = array<i32>} : memref<16x2x16xf32, #tpu.memory_space<vmem>>, vector<16xf32>,
    %min3A_220 = arith.minimumf %min3A_206, %get3A_219 : vector<16xf32>
    %get3A_221 = arith.constant 10 : i32
    %get3A_222 = arith.constant 1 : i32
    %get3A_223 = arith.index_cast %get3A_221 : i32 to index
    %get3A_224 = arith.index_cast %get3A_222 : i32 to index
    %get3A_225 = arith.constant 0 : index
    %get3A_226 = tpu.vector_load %arg6[%get3A_223, %get3A_224, %get3A_225] {strides = array<i32>} : memref<16x2x16xf32, #tpu.memory_space<vmem>>, vector<16xf32>,
    %max3A_227 = arith.maximumf %max3A_213, %get3A_226 : vector<16xf32>
    %get3A_228 = arith.constant 11 : i32
    %get3A_229 = arith.constant 0 : i32
    %get3A_230 = arith.index_cast %get3A_228 : i32 to index
    %get3A_231 = arith.index_cast %get3A_229 : i32 to index
    %get3A_232 = arith.constant 0 : index
    %get3A_233 = tpu.vector_load %arg6[%get3A_230, %get3A_231, %get3A_232] {strides = array<i32>} : memref<16x2x16xf32, #tpu.memory_space<vmem>>, vector<16xf32>,
    %min3A_234 = arith.minimumf %min3A_220, %get3A_233 : vector<16xf32>
    %get3A_235 = arith.constant 11 : i32
    %get3A_236 = arith.constant 1 : i32
    %get3A_237 = arith.index_cast %get3A_235 : i32 to index
    %get3A_238 = arith.index_cast %get3A_236 : i32 to index
    %get3A_239 = arith.constant 0 : index
    %get3A_240 = tpu.vector_load %arg6[%get3A_237, %get3A_238, %get3A_239] {strides = array<i32>} : memref<16x2x16xf32, #tpu.memory_space<vmem>>, vector<16xf32>,
    %max3A_241 = arith.maximumf %max3A_227, %get3A_240 : vector<16xf32>
    %get3A_242 = arith.constant 12 : i32
    %get3A_243 = arith.constant 0 : i32
    %get3A_244 = arith.index_cast %get3A_242 : i32 to index
    %get3A_245 = arith.index_cast %get3A_243 : i32 to index
    %get3A_246 = arith.constant 0 : index
    %get3A_247 = tpu.vector_load %arg6[%get3A_244, %get3A_245, %get3A_246] {strides = array<i32>} : memref<16x2x16xf32, #tpu.memory_space<vmem>>, vector<16xf32>,
    %min3A_248 = arith.minimumf %min3A_234, %get3A_247 : vector<16xf32>
    %get3A_249 = arith.constant 12 : i32
    %get3A_250 = arith.constant 1 : i32
    %get3A_251 = arith.index_cast %get3A_249 : i32 to index
    %get3A_252 = arith.index_cast %get3A_250 : i32 to index
    %get3A_253 = arith.constant 0 : index
    %get3A_254 = tpu.vector_load %arg6[%get3A_251, %get3A_252, %get3A_253] {strides = array<i32>} : memref<16x2x16xf32, #tpu.memory_space<vmem>>, vector<16xf32>,
    %max3A_255 = arith.maximumf %max3A_241, %get3A_254 : vector<16xf32>
    %get3A_256 = arith.constant 13 : i32
    %get3A_257 = arith.constant 0 : i32
    %get3A_258 = arith.index_cast %get3A_256 : i32 to index
    %get3A_259 = arith.index_cast %get3A_257 : i32 to index
    %get3A_260 = arith.constant 0 : index
    %get3A_261 = tpu.vector_load %arg6[%get3A_258, %get3A_259, %get3A_260] {strides = array<i32>} : memref<16x2x16xf32, #tpu.memory_space<vmem>>, vector<16xf32>,
    %min3A_262 = arith.minimumf %min3A_248, %get3A_261 : vector<16xf32>
    %get3A_263 = arith.constant 13 : i32
    %get3A_264 = arith.constant 1 : i32
    %get3A_265 = arith.index_cast %get3A_263 : i32 to index
    %get3A_266 = arith.index_cast %get3A_264 : i32 to index
    %get3A_267 = arith.constant 0 : index
    %get3A_268 = tpu.vector_load %arg6[%get3A_265, %get3A_266, %get3A_267] {strides = array<i32>} : memref<16x2x16xf32, #tpu.memory_space<vmem>>, vector<16xf32>,
    %max3A_269 = arith.maximumf %max3A_255, %get3A_268 : vector<16xf32>
    %get3A_270 = arith.constant 14 : i32
    %get3A_271 = arith.constant 0 : i32
    %get3A_272 = arith.index_cast %get3A_270 : i32 to index
    %get3A_273 = arith.index_cast %get3A_271 : i32 to index
    %get3A_274 = arith.constant 0 : index
    %get3A_275 = tpu.vector_load %arg6[%get3A_272, %get3A_273, %get3A_274] {strides = array<i32>} : memref<16x2x16xf32, #tpu.memory_space<vmem>>, vector<16xf32>,
    %min3A_276 = arith.minimumf %min3A_262, %get3A_275 : vector<16xf32>
    %get3A_277 = arith.constant 14 : i32
    %get3A_278 = arith.constant 1 : i32
    %get3A_279 = arith.index_cast %get3A_277 : i32 to index
    %get3A_280 = arith.index_cast %get3A_278 : i32 to index
    %get3A_281 = arith.constant 0 : index
    %get3A_282 = tpu.vector_load %arg6[%get3A_279, %get3A_280, %get3A_281] {strides = array<i32>} : memref<16x2x16xf32, #tpu.memory_space<vmem>>, vector<16xf32>,
    %max3A_283 = arith.maximumf %max3A_269, %get3A_282 : vector<16xf32>
    %get3A_284 = arith.constant 15 : i32
    %get3A_285 = arith.constant 0 : i32
    %get3A_286 = arith.index_cast %get3A_284 : i32 to index
    %get3A_287 = arith.index_cast %get3A_285 : i32 to index
    %get3A_288 = arith.constant 0 : index
    %get3A_289 = tpu.vector_load %arg6[%get3A_286, %get3A_287, %get3A_288] {strides = array<i32>} : memref<16x2x16xf32, #tpu.memory_space<vmem>>, vector<16xf32>,
    %min3A_290 = arith.minimumf %min3A_276, %get3A_289 : vector<16xf32>
    %get3A_291 = arith.constant 15 : i32
    %get3A_292 = arith.constant 1 : i32
    %get3A_293 = arith.index_cast %get3A_291 : i32 to index
    %get3A_294 = arith.index_cast %get3A_292 : i32 to index
    %get3A_295 = arith.constant 0 : index
    %get3A_296 = tpu.vector_load %arg6[%get3A_293, %get3A_294, %get3A_295] {strides = array<i32>} : memref<16x2x16xf32, #tpu.memory_space<vmem>>, vector<16xf32>,
    %max3A_297 = arith.maximumf %max3A_283, %get3A_296 : vector<16xf32>
    %iota3A = tpu.iota {dimensions = array<i32: 0>} : vector<16xi32>
    %xor3A = arith.constant 1 : i32
    %xor3A_298 = vector.broadcast %xor3A : i32 to vector<16xi32>
    %xor3A_299 = arith.xori %iota3A, %xor3A_298 : vector<16xi32>
    %lt3A = arith.constant 0 : i32
    %lt3A_300 = vector.broadcast %lt3A : i32 to vector<16xi32>
    %lt3A_301 = arith.cmpi slt, %xor3A_299, %lt3A_300 : vector<16xi32>
    %add3A_302 = arith.constant 16 : i32
    %add3A_303 = vector.broadcast %add3A_302 : i32 to vector<16xi32>
    %add3A_304 = arith.addi %xor3A_299, %add3A_303 : vector<16xi32>
    %select_n3A = arith.select %lt3A_301, %add3A_304, %xor3A_299 : vector<16xi1>, vector<16xi32>
    %broadcast_in_dim3A = vector.shape_cast %select_n3A : vector<16xi32> to vector<16x1xi32>
    %gather3A = vector.shape_cast %broadcast_in_dim3A : vector<16x1xi32> to vector<16xi32>
    %gather3A_305 = tpu.dynamic_gather %min3A_290[%gather3A] in [0] : vector<16xf32>, vector<16xi32> -> vector<16xf32>
    %min3A_306 = arith.minimumf %min3A_290, %gather3A_305 : vector<16xf32>
    %lt3A_307 = arith.constant 0 : i32
    %lt3A_308 = vector.broadcast %lt3A_307 : i32 to vector<16xi32>
    %lt3A_309 = arith.cmpi slt, %xor3A_299, %lt3A_308 : vector<16xi32>
    %add3A_310 = arith.constant 16 : i32
    %add3A_311 = vector.broadcast %add3A_310 : i32 to vector<16xi32>
    %add3A_312 = arith.addi %xor3A_299, %add3A_311 : vector<16xi32>
    %select_n3A_313 = arith.select %lt3A_309, %add3A_312, %xor3A_299 : vector<16xi1>, vector<16xi32>
    %broadcast_in_dim3A_314 = vector.shape_cast %select_n3A_313 : vector<16xi32> to vector<16x1xi32>
    %gather3A_315 = vector.shape_cast %broadcast_in_dim3A_314 : vector<16x1xi32> to vector<16xi32>
    %gather3A_316 = tpu.dynamic_gather %max3A_297[%gather3A_315] in [0] : vector<16xf32>, vector<16xi32> -> vector<16xf32>
    %max3A_317 = arith.maximumf %max3A_297, %gather3A_316 : vector<16xf32>
    %xor3A_318 = arith.constant 2 : i32
    %xor3A_319 = vector.broadcast %xor3A_318 : i32 to vector<16xi32>
    %xor3A_320 = arith.xori %iota3A, %xor3A_319 : vector<16xi32>
    %lt3A_321 = arith.constant 0 : i32
    %lt3A_322 = vector.broadcast %lt3A_321 : i32 to vector<16xi32>
    %lt3A_323 = arith.cmpi slt, %xor3A_320, %lt3A_322 : vector<16xi32>
    %add3A_324 = arith.constant 16 : i32
    %add3A_325 = vector.broadcast %add3A_324 : i32 to vector<16xi32>
    %add3A_326 = arith.addi %xor3A_320, %add3A_325 : vector<16xi32>
    %select_n3A_327 = arith.select %lt3A_323, %add3A_326, %xor3A_320 : vector<16xi1>, vector<16xi32>
    %broadcast_in_dim3A_328 = vector.shape_cast %select_n3A_327 : vector<16xi32> to vector<16x1xi32>
    %gather3A_329 = vector.shape_cast %broadcast_in_dim3A_328 : vector<16x1xi32> to vector<16xi32>
    %gather3A_330 = tpu.dynamic_gather %min3A_306[%gather3A_329] in [0] : vector<16xf32>, vector<16xi32> -> vector<16xf32>
    %min3A_331 = arith.minimumf %min3A_306, %gather3A_330 : vector<16xf32>
    %lt3A_332 = arith.constant 0 : i32
    %lt3A_333 = vector.broadcast %lt3A_332 : i32 to vector<16xi32>
    %lt3A_334 = arith.cmpi slt, %xor3A_320, %lt3A_333 : vector<16xi32>
    %add3A_335 = arith.constant 16 : i32
    %add3A_336 = vector.broadcast %add3A_335 : i32 to vector<16xi32>
    %add3A_337 = arith.addi %xor3A_320, %add3A_336 : vector<16xi32>
    %select_n3A_338 = arith.select %lt3A_334, %add3A_337, %xor3A_320 : vector<16xi1>, vector<16xi32>
    %broadcast_in_dim3A_339 = vector.shape_cast %select_n3A_338 : vector<16xi32> to vector<16x1xi32>
    %gather3A_340 = vector.shape_cast %broadcast_in_dim3A_339 : vector<16x1xi32> to vector<16xi32>
    %gather3A_341 = tpu.dynamic_gather %max3A_317[%gather3A_340] in [0] : vector<16xf32>, vector<16xi32> -> vector<16xf32>
    %max3A_342 = arith.maximumf %max3A_317, %gather3A_341 : vector<16xf32>
    %xor3A_343 = arith.constant 4 : i32
    %xor3A_344 = vector.broadcast %xor3A_343 : i32 to vector<16xi32>
    %xor3A_345 = arith.xori %iota3A, %xor3A_344 : vector<16xi32>
    %lt3A_346 = arith.constant 0 : i32
    %lt3A_347 = vector.broadcast %lt3A_346 : i32 to vector<16xi32>
    %lt3A_348 = arith.cmpi slt, %xor3A_345, %lt3A_347 : vector<16xi32>
    %add3A_349 = arith.constant 16 : i32
    %add3A_350 = vector.broadcast %add3A_349 : i32 to vector<16xi32>
    %add3A_351 = arith.addi %xor3A_345, %add3A_350 : vector<16xi32>
    %select_n3A_352 = arith.select %lt3A_348, %add3A_351, %xor3A_345 : vector<16xi1>, vector<16xi32>
    %broadcast_in_dim3A_353 = vector.shape_cast %select_n3A_352 : vector<16xi32> to vector<16x1xi32>
    %gather3A_354 = vector.shape_cast %broadcast_in_dim3A_353 : vector<16x1xi32> to vector<16xi32>
    %gather3A_355 = tpu.dynamic_gather %min3A_331[%gather3A_354] in [0] : vector<16xf32>, vector<16xi32> -> vector<16xf32>
    %min3A_356 = arith.minimumf %min3A_331, %gather3A_355 : vector<16xf32>
    %lt3A_357 = arith.constant 0 : i32
    %lt3A_358 = vector.broadcast %lt3A_357 : i32 to vector<16xi32>
    %lt3A_359 = arith.cmpi slt, %xor3A_345, %lt3A_358 : vector<16xi32>
    %add3A_360 = arith.constant 16 : i32
    %add3A_361 = vector.broadcast %add3A_360 : i32 to vector<16xi32>
    %add3A_362 = arith.addi %xor3A_345, %add3A_361 : vector<16xi32>
    %select_n3A_363 = arith.select %lt3A_359, %add3A_362, %xor3A_345 : vector<16xi1>, vector<16xi32>
    %broadcast_in_dim3A_364 = vector.shape_cast %select_n3A_363 : vector<16xi32> to vector<16x1xi32>
    %gather3A_365 = vector.shape_cast %broadcast_in_dim3A_364 : vector<16x1xi32> to vector<16xi32>
    %gather3A_366 = tpu.dynamic_gather %max3A_342[%gather3A_365] in [0] : vector<16xf32>, vector<16xi32> -> vector<16xf32>
    %max3A_367 = arith.maximumf %max3A_342, %gather3A_366 : vector<16xf32>
    %xor3A_368 = arith.constant 8 : i32
    %xor3A_369 = vector.broadcast %xor3A_368 : i32 to vector<16xi32>
    %xor3A_370 = arith.xori %iota3A, %xor3A_369 : vector<16xi32>
    %lt3A_371 = arith.constant 0 : i32
    %lt3A_372 = vector.broadcast %lt3A_371 : i32 to vector<16xi32>
    %lt3A_373 = arith.cmpi slt, %xor3A_370, %lt3A_372 : vector<16xi32>
    %add3A_374 = arith.constant 16 : i32
    %add3A_375 = vector.broadcast %add3A_374 : i32 to vector<16xi32>
    %add3A_376 = arith.addi %xor3A_370, %add3A_375 : vector<16xi32>
    %select_n3A_377 = arith.select %lt3A_373, %add3A_376, %xor3A_370 : vector<16xi1>, vector<16xi32>
    %broadcast_in_dim3A_378 = vector.shape_cast %select_n3A_377 : vector<16xi32> to vector<16x1xi32>
    %gather3A_379 = vector.shape_cast %broadcast_in_dim3A_378 : vector<16x1xi32> to vector<16xi32>
    %gather3A_380 = tpu.dynamic_gather %min3A_356[%gather3A_379] in [0] : vector<16xf32>, vector<16xi32> -> vector<16xf32>
    %min3A_381 = arith.minimumf %min3A_356, %gather3A_380 : vector<16xf32>
    %lt3A_382 = arith.constant 0 : i32
    %lt3A_383 = vector.broadcast %lt3A_382 : i32 to vector<16xi32>
    %lt3A_384 = arith.cmpi slt, %xor3A_370, %lt3A_383 : vector<16xi32>
    %add3A_385 = arith.constant 16 : i32
    %add3A_386 = vector.broadcast %add3A_385 : i32 to vector<16xi32>
    %add3A_387 = arith.addi %xor3A_370, %add3A_386 : vector<16xi32>
    %select_n3A_388 = arith.select %lt3A_384, %add3A_387, %xor3A_370 : vector<16xi1>, vector<16xi32>
    %broadcast_in_dim3A_389 = vector.shape_cast %select_n3A_388 : vector<16xi32> to vector<16x1xi32>
    %gather3A_390 = vector.shape_cast %broadcast_in_dim3A_389 : vector<16x1xi32> to vector<16xi32>
    %gather3A_391 = tpu.dynamic_gather %max3A_367[%gather3A_390] in [0] : vector<16xf32>, vector<16xi32> -> vector<16xf32>
    %max3A_392 = arith.maximumf %max3A_367, %gather3A_391 : vector<16xf32>
    %sub3A = arith.subf %max3A_392, %min3A_381 : vector<16xf32>
    %div3A = arith.constant 6.300000e+01 : f32
    %div3A_393 = vector.broadcast %div3A : f32 to vector<16xf32>
    %div3A_394 = arith.divf %sub3A, %div3A_393 : vector<16xf32>
    %div3A_395 = arith.constant 1.000000e+00 : f32
    %div3A_396 = vector.broadcast %div3A_395 : f32 to vector<16xf32>
    %div3A_397 = arith.divf %div3A_396, %div3A_394 : vector<16xf32>
    %mul3A_398 = arith.constant 16384 : i32
    %mul3A_399 = arith.muli %add3A, %mul3A_398 : i32
    "tpu.region"() ({
      %run_scoped3A_429 = tpu.sem_alloc : memref<!tpu.dma_semaphore, #tpu.memory_space<semaphore_mem>>
      tpu.enqueue_dma source(%arg3 : memref<65x256xf32, #tpu.memory_space<hbm>>) target(%arg9 : memref<65x256xf32, #tpu.memory_space<vmem>>) target_semaphore(%run_scoped3A_429 : memref<!tpu.dma_semaphore, #tpu.memory_space<semaphore_mem>>)
      tpu.wait_dma2 semaphore(%run_scoped3A_429 : memref<!tpu.dma_semaphore, #tpu.memory_space<semaphore_mem>>) src(%arg3 : memref<65x256xf32, #tpu.memory_space<hbm>>) dst(%arg9 : memref<65x256xf32, #tpu.memory_space<vmem>>)
      tpu.yield
    }) : () -> ()
    "tpu.region"() ({
      %run_scoped3A_429 = tpu.sem_alloc : memref<!tpu.dma_semaphore, #tpu.memory_space<semaphore_mem>>
      tpu.enqueue_dma source(%arg3 : memref<65x256xf32, #tpu.memory_space<hbm>>) target(%arg10 : memref<65x256xf32, #tpu.memory_space<vmem>>) target_semaphore(%run_scoped3A_429 : memref<!tpu.dma_semaphore, #tpu.memory_space<semaphore_mem>>)
      tpu.wait_dma2 semaphore(%run_scoped3A_429 : memref<!tpu.dma_semaphore, #tpu.memory_space<semaphore_mem>>) src(%arg3 : memref<65x256xf32, #tpu.memory_space<hbm>>) dst(%arg10 : memref<65x256xf32, #tpu.memory_space<vmem>>)
      tpu.yield
    }) : () -> ()
    %broadcast_in_dim3A_400 = arith.constant 1.000000e+00 : f32
    %broadcast_in_dim3A_401 = vector.broadcast %broadcast_in_dim3A_400 : f32 to vector<16xf32>
    %broadcast_in_dim3A_402 = arith.constant 0.000000e+00 : f32
    %broadcast_in_dim3A_403 = vector.broadcast %broadcast_in_dim3A_402 : f32 to vector<16xf32>
    %add3A_404 = arith.constant 0 : i32
    %add3A_405 = arith.addi %mul3A_399, %add3A_404 : i32
    %dma_start3A = tpu.memref_slice %arg2[%add3A_405] : memref<524288xf32, #tpu.memory_space<hbm>> -> memref<256xf32, #tpu.memory_space<hbm>>
    %dma_start3A_406 = tpu.memref_slice %arg2[%add3A_405] : memref<524288xf32, #tpu.memory_space<hbm>> -> memref<256xf32, #tpu.memory_space<hbm>>
    tpu.enqueue_dma source(%dma_start3A_406 : memref<256xf32, #tpu.memory_space<hbm>>) target(%arg7 : memref<256xf32, #tpu.memory_space<vmem>>) target_semaphore(%arg16 : memref<!tpu.dma_semaphore, #tpu.memory_space<semaphore_mem>>)
    %add3A_407 = arith.constant 256 : i32
    %add3A_408 = arith.addi %mul3A_399, %add3A_407 : i32
    %dma_start3A_409 = tpu.memref_slice %arg2[%add3A_408] : memref<524288xf32, #tpu.memory_space<hbm>> -> memref<256xf32, #tpu.memory_space<hbm>>
    %dma_start3A_410 = tpu.memref_slice %arg2[%add3A_408] : memref<524288xf32, #tpu.memory_space<hbm>> -> memref<256xf32, #tpu.memory_space<hbm>>
    tpu.enqueue_dma source(%dma_start3A_410 : memref<256xf32, #tpu.memory_space<hbm>>) target(%arg8 : memref<256xf32, #tpu.memory_space<vmem>>) target_semaphore(%arg17 : memref<!tpu.dma_semaphore, #tpu.memory_space<semaphore_mem>>)
    %scan3A_411 = arith.constant 0 : i32
    %scan3A_412 = arith.constant 0 : i32
    %scan3A_413 = arith.constant 64 : i32
    %scan3A_414 = arith.addi %scan3A_412, %scan3A_413 : i32
    %scan3A_415 = arith.constant 1 : i32
    %scan3A_416 = scf.for %scan3A_429 = %scan3A_412 to %scan3A_414 step %scan3A_415 iter_args(%scan3A_430 = %scan3A_411) -> (i32)  : i32 {
      %rem3A = arith.constant 2 : i32
      %rem3A_431 = arith.remsi %scan3A_429, %rem3A : i32
      %eq3A = arith.constant 0 : i32
      %eq3A_432 = arith.cmpi eq, %rem3A_431, %eq3A : i32
      %convert_element_type3A = arith.extui %eq3A_432 : i1 to i32
      %cond3A = arith.constant 0 : i32
      %cond3A_433 = arith.cmpi ne, %convert_element_type3A, %cond3A : i32
      scf.if %cond3A_433 {
        %ge3A = arith.constant 2 : i32
        %ge3A_440 = arith.cmpi sge, %scan3A_429, %ge3A : i32
        %convert_element_type3A_441 = arith.extui %ge3A_440 : i1 to i32
        %cond3A_442 = arith.constant 0 : i32
        %cond3A_443 = arith.cmpi ne, %convert_element_type3A_441, %cond3A_442 : i32
        scf.if %cond3A_443 {
          %dma_wait3A_718 = arith.constant 0 : i32
          %dma_wait3A_719 = arith.constant 0 : i32
          %dma_wait3A_720 = tpu.memref_slice %arg4[%dma_wait3A_718, %dma_wait3A_719] : memref<65x524288xf32, #tpu.memory_space<hbm>> -> memref<65x256xf32, #tpu.memory_space<hbm>>
          %dma_wait3A_721 = arith.constant 0 : i32
          %dma_wait3A_722 = arith.constant 0 : i32
          %dma_wait3A_723 = tpu.memref_slice %arg4[%dma_wait3A_721, %dma_wait3A_722] : memref<65x524288xf32, #tpu.memory_space<hbm>> -> memref<65x256xf32, #tpu.memory_space<hbm>>
          tpu.wait_dma2 semaphore(%arg14 : memref<!tpu.dma_semaphore, #tpu.memory_space<semaphore_mem>>) src(%arg9 : memref<65x256xf32, #tpu.memory_space<vmem>>) dst(%dma_wait3A_723 : memref<65x256xf32, #tpu.memory_space<hbm>>)
          %add3A_724 = arith.constant 0 : i32
          %add3A_725 = vector.broadcast %add3A_724 : i32 to vector<16xi32>
          %add3A_726 = arith.addi %iota3A, %add3A_725 : vector<16xi32>
          %get3A_727 = arith.constant 0 : index
          %get3A_728 = tpu.vector_load %arg11[%get3A_727] {strides = array<i32>} : memref<256xi32, #tpu.memory_space<vmem>>, vector<16xi32>,
          tpu.vector_store_idx %arg9[%get3A_728, %add3A_726], %broadcast_in_dim3A_403 : memref<65x256xf32, #tpu.memory_space<vmem>>[vector<16xi32>, vector<16xi32>], vector<16xf32>,
          %add3A_729 = arith.constant 16 : i32
          %add3A_730 = vector.broadcast %add3A_729 : i32 to vector<16xi32>
          %add3A_731 = arith.addi %iota3A, %add3A_730 : vector<16xi32>
          %get3A_732 = arith.constant 16 : index
          %get3A_733 = tpu.vector_load %arg11[%get3A_732] {strides = array<i32>} : memref<256xi32, #tpu.memory_space<vmem>>, vector<16xi32>,
          tpu.vector_store_idx %arg9[%get3A_733, %add3A_731], %broadcast_in_dim3A_403 : memref<65x256xf32, #tpu.memory_space<vmem>>[vector<16xi32>, vector<16xi32>], vector<16xf32>,
          %add3A_734 = arith.constant 32 : i32
          %add3A_735 = vector.broadcast %add3A_734 : i32 to vector<16xi32>
          %add3A_736 = arith.addi %iota3A, %add3A_735 : vector<16xi32>
          %get3A_737 = arith.constant 32 : index
          %get3A_738 = tpu.vector_load %arg11[%get3A_737] {strides = array<i32>} : memref<256xi32, #tpu.memory_space<vmem>>, vector<16xi32>,
          tpu.vector_store_idx %arg9[%get3A_738, %add3A_736], %broadcast_in_dim3A_403 : memref<65x256xf32, #tpu.memory_space<vmem>>[vector<16xi32>, vector<16xi32>], vector<16xf32>,
          %add3A_739 = arith.constant 48 : i32
          %add3A_740 = vector.broadcast %add3A_739 : i32 to vector<16xi32>
          %add3A_741 = arith.addi %iota3A, %add3A_740 : vector<16xi32>
          %get3A_742 = arith.constant 48 : index
          %get3A_743 = tpu.vector_load %arg11[%get3A_742] {strides = array<i32>} : memref<256xi32, #tpu.memory_space<vmem>>, vector<16xi32>,
          tpu.vector_store_idx %arg9[%get3A_743, %add3A_741], %broadcast_in_dim3A_403 : memref<65x256xf32, #tpu.memory_space<vmem>>[vector<16xi32>, vector<16xi32>], vector<16xf32>,
          %add3A_744 = arith.constant 64 : i32
          %add3A_745 = vector.broadcast %add3A_744 : i32 to vector<16xi32>
          %add3A_746 = arith.addi %iota3A, %add3A_745 : vector<16xi32>
          %get3A_747 = arith.constant 64 : index
          %get3A_748 = tpu.vector_load %arg11[%get3A_747] {strides = array<i32>} : memref<256xi32, #tpu.memory_space<vmem>>, vector<16xi32>,
          tpu.vector_store_idx %arg9[%get3A_748, %add3A_746], %broadcast_in_dim3A_403 : memref<65x256xf32, #tpu.memory_space<vmem>>[vector<16xi32>, vector<16xi32>], vector<16xf32>,
          %add3A_749 = arith.constant 80 : i32
          %add3A_750 = vector.broadcast %add3A_749 : i32 to vector<16xi32>
          %add3A_751 = arith.addi %iota3A, %add3A_750 : vector<16xi32>
          %get3A_752 = arith.constant 80 : index
          %get3A_753 = tpu.vector_load %arg11[%get3A_752] {strides = array<i32>} : memref<256xi32, #tpu.memory_space<vmem>>, vector<16xi32>,
          tpu.vector_store_idx %arg9[%get3A_753, %add3A_751], %broadcast_in_dim3A_403 : memref<65x256xf32, #tpu.memory_space<vmem>>[vector<16xi32>, vector<16xi32>], vector<16xf32>,
          %add3A_754 = arith.constant 96 : i32
          %add3A_755 = vector.broadcast %add3A_754 : i32 to vector<16xi32>
          %add3A_756 = arith.addi %iota3A, %add3A_755 : vector<16xi32>
          %get3A_757 = arith.constant 96 : index
          %get3A_758 = tpu.vector_load %arg11[%get3A_757] {strides = array<i32>} : memref<256xi32, #tpu.memory_space<vmem>>, vector<16xi32>,
          tpu.vector_store_idx %arg9[%get3A_758, %add3A_756], %broadcast_in_dim3A_403 : memref<65x256xf32, #tpu.memory_space<vmem>>[vector<16xi32>, vector<16xi32>], vector<16xf32>,
          %add3A_759 = arith.constant 112 : i32
          %add3A_760 = vector.broadcast %add3A_759 : i32 to vector<16xi32>
          %add3A_761 = arith.addi %iota3A, %add3A_760 : vector<16xi32>
          %get3A_762 = arith.constant 112 : index
          %get3A_763 = tpu.vector_load %arg11[%get3A_762] {strides = array<i32>} : memref<256xi32, #tpu.memory_space<vmem>>, vector<16xi32>,
          tpu.vector_store_idx %arg9[%get3A_763, %add3A_761], %broadcast_in_dim3A_403 : memref<65x256xf32, #tpu.memory_space<vmem>>[vector<16xi32>, vector<16xi32>], vector<16xf32>,
          %add3A_764 = arith.constant 128 : i32
          %add3A_765 = vector.broadcast %add3A_764 : i32 to vector<16xi32>
          %add3A_766 = arith.addi %iota3A, %add3A_765 : vector<16xi32>
          %get3A_767 = arith.constant 128 : index
          %get3A_768 = tpu.vector_load %arg11[%get3A_767] {strides = array<i32>} : memref<256xi32, #tpu.memory_space<vmem>>, vector<16xi32>,
          tpu.vector_store_idx %arg9[%get3A_768, %add3A_766], %broadcast_in_dim3A_403 : memref<65x256xf32, #tpu.memory_space<vmem>>[vector<16xi32>, vector<16xi32>], vector<16xf32>,
          %add3A_769 = arith.constant 144 : i32
          %add3A_770 = vector.broadcast %add3A_769 : i32 to vector<16xi32>
          %add3A_771 = arith.addi %iota3A, %add3A_770 : vector<16xi32>
          %get3A_772 = arith.constant 144 : index
          %get3A_773 = tpu.vector_load %arg11[%get3A_772] {strides = array<i32>} : memref<256xi32, #tpu.memory_space<vmem>>, vector<16xi32>,
          tpu.vector_store_idx %arg9[%get3A_773, %add3A_771], %broadcast_in_dim3A_403 : memref<65x256xf32, #tpu.memory_space<vmem>>[vector<16xi32>, vector<16xi32>], vector<16xf32>,
          %add3A_774 = arith.constant 160 : i32
          %add3A_775 = vector.broadcast %add3A_774 : i32 to vector<16xi32>
          %add3A_776 = arith.addi %iota3A, %add3A_775 : vector<16xi32>
          %get3A_777 = arith.constant 160 : index
          %get3A_778 = tpu.vector_load %arg11[%get3A_777] {strides = array<i32>} : memref<256xi32, #tpu.memory_space<vmem>>, vector<16xi32>,
          tpu.vector_store_idx %arg9[%get3A_778, %add3A_776], %broadcast_in_dim3A_403 : memref<65x256xf32, #tpu.memory_space<vmem>>[vector<16xi32>, vector<16xi32>], vector<16xf32>,
          %add3A_779 = arith.constant 176 : i32
          %add3A_780 = vector.broadcast %add3A_779 : i32 to vector<16xi32>
          %add3A_781 = arith.addi %iota3A, %add3A_780 : vector<16xi32>
          %get3A_782 = arith.constant 176 : index
          %get3A_783 = tpu.vector_load %arg11[%get3A_782] {strides = array<i32>} : memref<256xi32, #tpu.memory_space<vmem>>, vector<16xi32>,
          tpu.vector_store_idx %arg9[%get3A_783, %add3A_781], %broadcast_in_dim3A_403 : memref<65x256xf32, #tpu.memory_space<vmem>>[vector<16xi32>, vector<16xi32>], vector<16xf32>,
          %add3A_784 = arith.constant 192 : i32
          %add3A_785 = vector.broadcast %add3A_784 : i32 to vector<16xi32>
          %add3A_786 = arith.addi %iota3A, %add3A_785 : vector<16xi32>
          %get3A_787 = arith.constant 192 : index
          %get3A_788 = tpu.vector_load %arg11[%get3A_787] {strides = array<i32>} : memref<256xi32, #tpu.memory_space<vmem>>, vector<16xi32>,
          tpu.vector_store_idx %arg9[%get3A_788, %add3A_786], %broadcast_in_dim3A_403 : memref<65x256xf32, #tpu.memory_space<vmem>>[vector<16xi32>, vector<16xi32>], vector<16xf32>,
          %add3A_789 = arith.constant 208 : i32
          %add3A_790 = vector.broadcast %add3A_789 : i32 to vector<16xi32>
          %add3A_791 = arith.addi %iota3A, %add3A_790 : vector<16xi32>
          %get3A_792 = arith.constant 208 : index
          %get3A_793 = tpu.vector_load %arg11[%get3A_792] {strides = array<i32>} : memref<256xi32, #tpu.memory_space<vmem>>, vector<16xi32>,
          tpu.vector_store_idx %arg9[%get3A_793, %add3A_791], %broadcast_in_dim3A_403 : memref<65x256xf32, #tpu.memory_space<vmem>>[vector<16xi32>, vector<16xi32>], vector<16xf32>,
          %add3A_794 = arith.constant 224 : i32
          %add3A_795 = vector.broadcast %add3A_794 : i32 to vector<16xi32>
          %add3A_796 = arith.addi %iota3A, %add3A_795 : vector<16xi32>
          %get3A_797 = arith.constant 224 : index
          %get3A_798 = tpu.vector_load %arg11[%get3A_797] {strides = array<i32>} : memref<256xi32, #tpu.memory_space<vmem>>, vector<16xi32>,
          tpu.vector_store_idx %arg9[%get3A_798, %add3A_796], %broadcast_in_dim3A_403 : memref<65x256xf32, #tpu.memory_space<vmem>>[vector<16xi32>, vector<16xi32>], vector<16xf32>,
          %add3A_799 = arith.constant 240 : i32
          %add3A_800 = vector.broadcast %add3A_799 : i32 to vector<16xi32>
          %add3A_801 = arith.addi %iota3A, %add3A_800 : vector<16xi32>
          %get3A_802 = arith.constant 240 : index
          %get3A_803 = tpu.vector_load %arg11[%get3A_802] {strides = array<i32>} : memref<256xi32, #tpu.memory_space<vmem>>, vector<16xi32>,
          tpu.vector_store_idx %arg9[%get3A_803, %add3A_801], %broadcast_in_dim3A_403 : memref<65x256xf32, #tpu.memory_space<vmem>>[vector<16xi32>, vector<16xi32>], vector<16xf32>,
        } else {
        }
        %add3A_444 = arith.constant 0 : i32
        %add3A_445 = arith.addi %mul3A_399, %add3A_444 : i32
        %dma_wait3A_446 = tpu.memref_slice %arg2[%add3A_445] : memref<524288xf32, #tpu.memory_space<hbm>> -> memref<256xf32, #tpu.memory_space<hbm>>
        %dma_wait3A_447 = tpu.memref_slice %arg2[%add3A_445] : memref<524288xf32, #tpu.memory_space<hbm>> -> memref<256xf32, #tpu.memory_space<hbm>>
        tpu.wait_dma2 semaphore(%arg16 : memref<!tpu.dma_semaphore, #tpu.memory_space<semaphore_mem>>) src(%dma_wait3A_447 : memref<256xf32, #tpu.memory_space<hbm>>) dst(%arg7 : memref<256xf32, #tpu.memory_space<vmem>>)
        %get3A_448 = arith.constant 0 : index
        %get3A_449 = tpu.vector_load %arg7[%get3A_448] {strides = array<i32>} : memref<256xf32, #tpu.memory_space<vmem>>, vector<16xf32>,
        %sub3A_450 = arith.subf %get3A_449, %min3A_381 : vector<16xf32>
        %mul3A_451 = arith.mulf %sub3A_450, %div3A_397 : vector<16xf32>
        %convert_element_type3A_452 = arith.fptosi %mul3A_451 : vector<16xf32> to vector<16xi32>
        %add3A_453 = arith.constant 1 : i32
        %add3A_454 = vector.broadcast %add3A_453 : i32 to vector<16xi32>
        %add3A_455 = arith.addi %convert_element_type3A_452, %add3A_454 : vector<16xi32>
        %min3A_456 = arith.constant 64 : i32
        %min3A_457 = vector.broadcast %min3A_456 : i32 to vector<16xi32>
        %min3A_458 = arith.minsi %add3A_455, %min3A_457 : vector<16xi32>
        %swap3A_459 = arith.constant 0 : index
        %swap3A_460 = tpu.vector_load %arg11[%swap3A_459] {strides = array<i32>} : memref<256xi32, #tpu.memory_space<vmem>>, vector<16xi32>,
        tpu.vector_store %arg11[%swap3A_459], %min3A_458 {strides = array<i32>} : memref<256xi32, #tpu.memory_space<vmem>>, vector<16xi32>,
        %add3A_461 = arith.constant 0 : i32
        %add3A_462 = vector.broadcast %add3A_461 : i32 to vector<16xi32>
        %add3A_463 = arith.addi %iota3A, %add3A_462 : vector<16xi32>
        tpu.vector_store_idx %arg9[%min3A_458, %add3A_463], %broadcast_in_dim3A_401 : memref<65x256xf32, #tpu.memory_space<vmem>>[vector<16xi32>, vector<16xi32>], vector<16xf32>,
        %get3A_464 = arith.constant 16 : index
        %get3A_465 = tpu.vector_load %arg7[%get3A_464] {strides = array<i32>} : memref<256xf32, #tpu.memory_space<vmem>>, vector<16xf32>,
        %sub3A_466 = arith.subf %get3A_465, %min3A_381 : vector<16xf32>
        %mul3A_467 = arith.mulf %sub3A_466, %div3A_397 : vector<16xf32>
        %convert_element_type3A_468 = arith.fptosi %mul3A_467 : vector<16xf32> to vector<16xi32>
        %add3A_469 = arith.constant 1 : i32
        %add3A_470 = vector.broadcast %add3A_469 : i32 to vector<16xi32>
        %add3A_471 = arith.addi %convert_element_type3A_468, %add3A_470 : vector<16xi32>
        %min3A_472 = arith.constant 64 : i32
        %min3A_473 = vector.broadcast %min3A_472 : i32 to vector<16xi32>
        %min3A_474 = arith.minsi %add3A_471, %min3A_473 : vector<16xi32>
        %swap3A_475 = arith.constant 16 : index
        %swap3A_476 = tpu.vector_load %arg11[%swap3A_475] {strides = array<i32>} : memref<256xi32, #tpu.memory_space<vmem>>, vector<16xi32>,
        tpu.vector_store %arg11[%swap3A_475], %min3A_474 {strides = array<i32>} : memref<256xi32, #tpu.memory_space<vmem>>, vector<16xi32>,
        %add3A_477 = arith.constant 16 : i32
        %add3A_478 = vector.broadcast %add3A_477 : i32 to vector<16xi32>
        %add3A_479 = arith.addi %iota3A, %add3A_478 : vector<16xi32>
        tpu.vector_store_idx %arg9[%min3A_474, %add3A_479], %broadcast_in_dim3A_401 : memref<65x256xf32, #tpu.memory_space<vmem>>[vector<16xi32>, vector<16xi32>], vector<16xf32>,
        %get3A_480 = arith.constant 32 : index
        %get3A_481 = tpu.vector_load %arg7[%get3A_480] {strides = array<i32>} : memref<256xf32, #tpu.memory_space<vmem>>, vector<16xf32>,
        %sub3A_482 = arith.subf %get3A_481, %min3A_381 : vector<16xf32>
        %mul3A_483 = arith.mulf %sub3A_482, %div3A_397 : vector<16xf32>
        %convert_element_type3A_484 = arith.fptosi %mul3A_483 : vector<16xf32> to vector<16xi32>
        %add3A_485 = arith.constant 1 : i32
        %add3A_486 = vector.broadcast %add3A_485 : i32 to vector<16xi32>
        %add3A_487 = arith.addi %convert_element_type3A_484, %add3A_486 : vector<16xi32>
        %min3A_488 = arith.constant 64 : i32
        %min3A_489 = vector.broadcast %min3A_488 : i32 to vector<16xi32>
        %min3A_490 = arith.minsi %add3A_487, %min3A_489 : vector<16xi32>
        %swap3A_491 = arith.constant 32 : index
        %swap3A_492 = tpu.vector_load %arg11[%swap3A_491] {strides = array<i32>} : memref<256xi32, #tpu.memory_space<vmem>>, vector<16xi32>,
        tpu.vector_store %arg11[%swap3A_491], %min3A_490 {strides = array<i32>} : memref<256xi32, #tpu.memory_space<vmem>>, vector<16xi32>,
        %add3A_493 = arith.constant 32 : i32
        %add3A_494 = vector.broadcast %add3A_493 : i32 to vector<16xi32>
        %add3A_495 = arith.addi %iota3A, %add3A_494 : vector<16xi32>
        tpu.vector_store_idx %arg9[%min3A_490, %add3A_495], %broadcast_in_dim3A_401 : memref<65x256xf32, #tpu.memory_space<vmem>>[vector<16xi32>, vector<16xi32>], vector<16xf32>,
        %get3A_496 = arith.constant 48 : index
        %get3A_497 = tpu.vector_load %arg7[%get3A_496] {strides = array<i32>} : memref<256xf32, #tpu.memory_space<vmem>>, vector<16xf32>,
        %sub3A_498 = arith.subf %get3A_497, %min3A_381 : vector<16xf32>
        %mul3A_499 = arith.mulf %sub3A_498, %div3A_397 : vector<16xf32>
        %convert_element_type3A_500 = arith.fptosi %mul3A_499 : vector<16xf32> to vector<16xi32>
        %add3A_501 = arith.constant 1 : i32
        %add3A_502 = vector.broadcast %add3A_501 : i32 to vector<16xi32>
        %add3A_503 = arith.addi %convert_element_type3A_500, %add3A_502 : vector<16xi32>
        %min3A_504 = arith.constant 64 : i32
        %min3A_505 = vector.broadcast %min3A_504 : i32 to vector<16xi32>
        %min3A_506 = arith.minsi %add3A_503, %min3A_505 : vector<16xi32>
        %swap3A_507 = arith.constant 48 : index
        %swap3A_508 = tpu.vector_load %arg11[%swap3A_507] {strides = array<i32>} : memref<256xi32, #tpu.memory_space<vmem>>, vector<16xi32>,
        tpu.vector_store %arg11[%swap3A_507], %min3A_506 {strides = array<i32>} : memref<256xi32, #tpu.memory_space<vmem>>, vector<16xi32>,
        %add3A_509 = arith.constant 48 : i32
        %add3A_510 = vector.broadcast %add3A_509 : i32 to vector<16xi32>
        %add3A_511 = arith.addi %iota3A, %add3A_510 : vector<16xi32>
        tpu.vector_store_idx %arg9[%min3A_506, %add3A_511], %broadcast_in_dim3A_401 : memref<65x256xf32, #tpu.memory_space<vmem>>[vector<16xi32>, vector<16xi32>], vector<16xf32>,
        %get3A_512 = arith.constant 64 : index
        %get3A_513 = tpu.vector_load %arg7[%get3A_512] {strides = array<i32>} : memref<256xf32, #tpu.memory_space<vmem>>, vector<16xf32>,
        %sub3A_514 = arith.subf %get3A_513, %min3A_381 : vector<16xf32>
        %mul3A_515 = arith.mulf %sub3A_514, %div3A_397 : vector<16xf32>
        %convert_element_type3A_516 = arith.fptosi %mul3A_515 : vector<16xf32> to vector<16xi32>
        %add3A_517 = arith.constant 1 : i32
        %add3A_518 = vector.broadcast %add3A_517 : i32 to vector<16xi32>
        %add3A_519 = arith.addi %convert_element_type3A_516, %add3A_518 : vector<16xi32>
        %min3A_520 = arith.constant 64 : i32
        %min3A_521 = vector.broadcast %min3A_520 : i32 to vector<16xi32>
        %min3A_522 = arith.minsi %add3A_519, %min3A_521 : vector<16xi32>
        %swap3A_523 = arith.constant 64 : index
        %swap3A_524 = tpu.vector_load %arg11[%swap3A_523] {strides = array<i32>} : memref<256xi32, #tpu.memory_space<vmem>>, vector<16xi32>,
        tpu.vector_store %arg11[%swap3A_523], %min3A_522 {strides = array<i32>} : memref<256xi32, #tpu.memory_space<vmem>>, vector<16xi32>,
        %add3A_525 = arith.constant 64 : i32
        %add3A_526 = vector.broadcast %add3A_525 : i32 to vector<16xi32>
        %add3A_527 = arith.addi %iota3A, %add3A_526 : vector<16xi32>
        tpu.vector_store_idx %arg9[%min3A_522, %add3A_527], %broadcast_in_dim3A_401 : memref<65x256xf32, #tpu.memory_space<vmem>>[vector<16xi32>, vector<16xi32>], vector<16xf32>,
        %get3A_528 = arith.constant 80 : index
        %get3A_529 = tpu.vector_load %arg7[%get3A_528] {strides = array<i32>} : memref<256xf32, #tpu.memory_space<vmem>>, vector<16xf32>,
        %sub3A_530 = arith.subf %get3A_529, %min3A_381 : vector<16xf32>
        %mul3A_531 = arith.mulf %sub3A_530, %div3A_397 : vector<16xf32>
        %convert_element_type3A_532 = arith.fptosi %mul3A_531 : vector<16xf32> to vector<16xi32>
        %add3A_533 = arith.constant 1 : i32
        %add3A_534 = vector.broadcast %add3A_533 : i32 to vector<16xi32>
        %add3A_535 = arith.addi %convert_element_type3A_532, %add3A_534 : vector<16xi32>
        %min3A_536 = arith.constant 64 : i32
        %min3A_537 = vector.broadcast %min3A_536 : i32 to vector<16xi32>
        %min3A_538 = arith.minsi %add3A_535, %min3A_537 : vector<16xi32>
        %swap3A_539 = arith.constant 80 : index
        %swap3A_540 = tpu.vector_load %arg11[%swap3A_539] {strides = array<i32>} : memref<256xi32, #tpu.memory_space<vmem>>, vector<16xi32>,
        tpu.vector_store %arg11[%swap3A_539], %min3A_538 {strides = array<i32>} : memref<256xi32, #tpu.memory_space<vmem>>, vector<16xi32>,
        %add3A_541 = arith.constant 80 : i32
        %add3A_542 = vector.broadcast %add3A_541 : i32 to vector<16xi32>
        %add3A_543 = arith.addi %iota3A, %add3A_542 : vector<16xi32>
        tpu.vector_store_idx %arg9[%min3A_538, %add3A_543], %broadcast_in_dim3A_401 : memref<65x256xf32, #tpu.memory_space<vmem>>[vector<16xi32>, vector<16xi32>], vector<16xf32>,
        %get3A_544 = arith.constant 96 : index
        %get3A_545 = tpu.vector_load %arg7[%get3A_544] {strides = array<i32>} : memref<256xf32, #tpu.memory_space<vmem>>, vector<16xf32>,
        %sub3A_546 = arith.subf %get3A_545, %min3A_381 : vector<16xf32>
        %mul3A_547 = arith.mulf %sub3A_546, %div3A_397 : vector<16xf32>
        %convert_element_type3A_548 = arith.fptosi %mul3A_547 : vector<16xf32> to vector<16xi32>
        %add3A_549 = arith.constant 1 : i32
        %add3A_550 = vector.broadcast %add3A_549 : i32 to vector<16xi32>
        %add3A_551 = arith.addi %convert_element_type3A_548, %add3A_550 : vector<16xi32>
        %min3A_552 = arith.constant 64 : i32
        %min3A_553 = vector.broadcast %min3A_552 : i32 to vector<16xi32>
        %min3A_554 = arith.minsi %add3A_551, %min3A_553 : vector<16xi32>
        %swap3A_555 = arith.constant 96 : index
        %swap3A_556 = tpu.vector_load %arg11[%swap3A_555] {strides = array<i32>} : memref<256xi32, #tpu.memory_space<vmem>>, vector<16xi32>,
        tpu.vector_store %arg11[%swap3A_555], %min3A_554 {strides = array<i32>} : memref<256xi32, #tpu.memory_space<vmem>>, vector<16xi32>,
        %add3A_557 = arith.constant 96 : i32
        %add3A_558 = vector.broadcast %add3A_557 : i32 to vector<16xi32>
        %add3A_559 = arith.addi %iota3A, %add3A_558 : vector<16xi32>
        tpu.vector_store_idx %arg9[%min3A_554, %add3A_559], %broadcast_in_dim3A_401 : memref<65x256xf32, #tpu.memory_space<vmem>>[vector<16xi32>, vector<16xi32>], vector<16xf32>,
        %get3A_560 = arith.constant 112 : index
        %get3A_561 = tpu.vector_load %arg7[%get3A_560] {strides = array<i32>} : memref<256xf32, #tpu.memory_space<vmem>>, vector<16xf32>,
        %sub3A_562 = arith.subf %get3A_561, %min3A_381 : vector<16xf32>
        %mul3A_563 = arith.mulf %sub3A_562, %div3A_397 : vector<16xf32>
        %convert_element_type3A_564 = arith.fptosi %mul3A_563 : vector<16xf32> to vector<16xi32>
        %add3A_565 = arith.constant 1 : i32
        %add3A_566 = vector.broadcast %add3A_565 : i32 to vector<16xi32>
        %add3A_567 = arith.addi %convert_element_type3A_564, %add3A_566 : vector<16xi32>
        %min3A_568 = arith.constant 64 : i32
        %min3A_569 = vector.broadcast %min3A_568 : i32 to vector<16xi32>
        %min3A_570 = arith.minsi %add3A_567, %min3A_569 : vector<16xi32>
        %swap3A_571 = arith.constant 112 : index
        %swap3A_572 = tpu.vector_load %arg11[%swap3A_571] {strides = array<i32>} : memref<256xi32, #tpu.memory_space<vmem>>, vector<16xi32>,
        tpu.vector_store %arg11[%swap3A_571], %min3A_570 {strides = array<i32>} : memref<256xi32, #tpu.memory_space<vmem>>, vector<16xi32>,
        %add3A_573 = arith.constant 112 : i32
        %add3A_574 = vector.broadcast %add3A_573 : i32 to vector<16xi32>
        %add3A_575 = arith.addi %iota3A, %add3A_574 : vector<16xi32>
        tpu.vector_store_idx %arg9[%min3A_570, %add3A_575], %broadcast_in_dim3A_401 : memref<65x256xf32, #tpu.memory_space<vmem>>[vector<16xi32>, vector<16xi32>], vector<16xf32>,
        %get3A_576 = arith.constant 128 : index
        %get3A_577 = tpu.vector_load %arg7[%get3A_576] {strides = array<i32>} : memref<256xf32, #tpu.memory_space<vmem>>, vector<16xf32>,
        %sub3A_578 = arith.subf %get3A_577, %min3A_381 : vector<16xf32>
        %mul3A_579 = arith.mulf %sub3A_578, %div3A_397 : vector<16xf32>
        %convert_element_type3A_580 = arith.fptosi %mul3A_579 : vector<16xf32> to vector<16xi32>
        %add3A_581 = arith.constant 1 : i32
        %add3A_582 = vector.broadcast %add3A_581 : i32 to vector<16xi32>
        %add3A_583 = arith.addi %convert_element_type3A_580, %add3A_582 : vector<16xi32>
        %min3A_584 = arith.constant 64 : i32
        %min3A_585 = vector.broadcast %min3A_584 : i32 to vector<16xi32>
        %min3A_586 = arith.minsi %add3A_583, %min3A_585 : vector<16xi32>
        %swap3A_587 = arith.constant 128 : index
        %swap3A_588 = tpu.vector_load %arg11[%swap3A_587] {strides = array<i32>} : memref<256xi32, #tpu.memory_space<vmem>>, vector<16xi32>,
        tpu.vector_store %arg11[%swap3A_587], %min3A_586 {strides = array<i32>} : memref<256xi32, #tpu.memory_space<vmem>>, vector<16xi32>,
        %add3A_589 = arith.constant 128 : i32
        %add3A_590 = vector.broadcast %add3A_589 : i32 to vector<16xi32>
        %add3A_591 = arith.addi %iota3A, %add3A_590 : vector<16xi32>
        tpu.vector_store_idx %arg9[%min3A_586, %add3A_591], %broadcast_in_dim3A_401 : memref<65x256xf32, #tpu.memory_space<vmem>>[vector<16xi32>, vector<16xi32>], vector<16xf32>,
        %get3A_592 = arith.constant 144 : index
        %get3A_593 = tpu.vector_load %arg7[%get3A_592] {strides = array<i32>} : memref<256xf32, #tpu.memory_space<vmem>>, vector<16xf32>,
        %sub3A_594 = arith.subf %get3A_593, %min3A_381 : vector<16xf32>
        %mul3A_595 = arith.mulf %sub3A_594, %div3A_397 : vector<16xf32>
        %convert_element_type3A_596 = arith.fptosi %mul3A_595 : vector<16xf32> to vector<16xi32>
        %add3A_597 = arith.constant 1 : i32
        %add3A_598 = vector.broadcast %add3A_597 : i32 to vector<16xi32>
        %add3A_599 = arith.addi %convert_element_type3A_596, %add3A_598 : vector<16xi32>
        %min3A_600 = arith.constant 64 : i32
        %min3A_601 = vector.broadcast %min3A_600 : i32 to vector<16xi32>
        %min3A_602 = arith.minsi %add3A_599, %min3A_601 : vector<16xi32>
        %swap3A_603 = arith.constant 144 : index
        %swap3A_604 = tpu.vector_load %arg11[%swap3A_603] {strides = array<i32>} : memref<256xi32, #tpu.memory_space<vmem>>, vector<16xi32>,
        tpu.vector_store %arg11[%swap3A_603], %min3A_602 {strides = array<i32>} : memref<256xi32, #tpu.memory_space<vmem>>, vector<16xi32>,
        %add3A_605 = arith.constant 144 : i32
        %add3A_606 = vector.broadcast %add3A_605 : i32 to vector<16xi32>
        %add3A_607 = arith.addi %iota3A, %add3A_606 : vector<16xi32>
        tpu.vector_store_idx %arg9[%min3A_602, %add3A_607], %broadcast_in_dim3A_401 : memref<65x256xf32, #tpu.memory_space<vmem>>[vector<16xi32>, vector<16xi32>], vector<16xf32>,
        %get3A_608 = arith.constant 160 : index
        %get3A_609 = tpu.vector_load %arg7[%get3A_608] {strides = array<i32>} : memref<256xf32, #tpu.memory_space<vmem>>, vector<16xf32>,
        %sub3A_610 = arith.subf %get3A_609, %min3A_381 : vector<16xf32>
        %mul3A_611 = arith.mulf %sub3A_610, %div3A_397 : vector<16xf32>
        %convert_element_type3A_612 = arith.fptosi %mul3A_611 : vector<16xf32> to vector<16xi32>
        %add3A_613 = arith.constant 1 : i32
        %add3A_614 = vector.broadcast %add3A_613 : i32 to vector<16xi32>
        %add3A_615 = arith.addi %convert_element_type3A_612, %add3A_614 : vector<16xi32>
        %min3A_616 = arith.constant 64 : i32
        %min3A_617 = vector.broadcast %min3A_616 : i32 to vector<16xi32>
        %min3A_618 = arith.minsi %add3A_615, %min3A_617 : vector<16xi32>
        %swap3A_619 = arith.constant 160 : index
        %swap3A_620 = tpu.vector_load %arg11[%swap3A_619] {strides = array<i32>} : memref<256xi32, #tpu.memory_space<vmem>>, vector<16xi32>,
        tpu.vector_store %arg11[%swap3A_619], %min3A_618 {strides = array<i32>} : memref<256xi32, #tpu.memory_space<vmem>>, vector<16xi32>,
        %add3A_621 = arith.constant 160 : i32
        %add3A_622 = vector.broadcast %add3A_621 : i32 to vector<16xi32>
        %add3A_623 = arith.addi %iota3A, %add3A_622 : vector<16xi32>
        tpu.vector_store_idx %arg9[%min3A_618, %add3A_623], %broadcast_in_dim3A_401 : memref<65x256xf32, #tpu.memory_space<vmem>>[vector<16xi32>, vector<16xi32>], vector<16xf32>,
        %get3A_624 = arith.constant 176 : index
        %get3A_625 = tpu.vector_load %arg7[%get3A_624] {strides = array<i32>} : memref<256xf32, #tpu.memory_space<vmem>>, vector<16xf32>,
        %sub3A_626 = arith.subf %get3A_625, %min3A_381 : vector<16xf32>
        %mul3A_627 = arith.mulf %sub3A_626, %div3A_397 : vector<16xf32>
        %convert_element_type3A_628 = arith.fptosi %mul3A_627 : vector<16xf32> to vector<16xi32>
        %add3A_629 = arith.constant 1 : i32
        %add3A_630 = vector.broadcast %add3A_629 : i32 to vector<16xi32>
        %add3A_631 = arith.addi %convert_element_type3A_628, %add3A_630 : vector<16xi32>
        %min3A_632 = arith.constant 64 : i32
        %min3A_633 = vector.broadcast %min3A_632 : i32 to vector<16xi32>
        %min3A_634 = arith.minsi %add3A_631, %min3A_633 : vector<16xi32>
        %swap3A_635 = arith.constant 176 : index
        %swap3A_636 = tpu.vector_load %arg11[%swap3A_635] {strides = array<i32>} : memref<256xi32, #tpu.memory_space<vmem>>, vector<16xi32>,
        tpu.vector_store %arg11[%swap3A_635], %min3A_634 {strides = array<i32>} : memref<256xi32, #tpu.memory_space<vmem>>, vector<16xi32>,
        %add3A_637 = arith.constant 176 : i32
        %add3A_638 = vector.broadcast %add3A_637 : i32 to vector<16xi32>
        %add3A_639 = arith.addi %iota3A, %add3A_638 : vector<16xi32>
        tpu.vector_store_idx %arg9[%min3A_634, %add3A_639], %broadcast_in_dim3A_401 : memref<65x256xf32, #tpu.memory_space<vmem>>[vector<16xi32>, vector<16xi32>], vector<16xf32>,
        %get3A_640 = arith.constant 192 : index
        %get3A_641 = tpu.vector_load %arg7[%get3A_640] {strides = array<i32>} : memref<256xf32, #tpu.memory_space<vmem>>, vector<16xf32>,
        %sub3A_642 = arith.subf %get3A_641, %min3A_381 : vector<16xf32>
        %mul3A_643 = arith.mulf %sub3A_642, %div3A_397 : vector<16xf32>
        %convert_element_type3A_644 = arith.fptosi %mul3A_643 : vector<16xf32> to vector<16xi32>
        %add3A_645 = arith.constant 1 : i32
        %add3A_646 = vector.broadcast %add3A_645 : i32 to vector<16xi32>
        %add3A_647 = arith.addi %convert_element_type3A_644, %add3A_646 : vector<16xi32>
        %min3A_648 = arith.constant 64 : i32
        %min3A_649 = vector.broadcast %min3A_648 : i32 to vector<16xi32>
        %min3A_650 = arith.minsi %add3A_647, %min3A_649 : vector<16xi32>
        %swap3A_651 = arith.constant 192 : index
        %swap3A_652 = tpu.vector_load %arg11[%swap3A_651] {strides = array<i32>} : memref<256xi32, #tpu.memory_space<vmem>>, vector<16xi32>,
        tpu.vector_store %arg11[%swap3A_651], %min3A_650 {strides = array<i32>} : memref<256xi32, #tpu.memory_space<vmem>>, vector<16xi32>,
        %add3A_653 = arith.constant 192 : i32
        %add3A_654 = vector.broadcast %add3A_653 : i32 to vector<16xi32>
        %add3A_655 = arith.addi %iota3A, %add3A_654 : vector<16xi32>
        tpu.vector_store_idx %arg9[%min3A_650, %add3A_655], %broadcast_in_dim3A_401 : memref<65x256xf32, #tpu.memory_space<vmem>>[vector<16xi32>, vector<16xi32>], vector<16xf32>,
        %get3A_656 = arith.constant 208 : index
        %get3A_657 = tpu.vector_load %arg7[%get3A_656] {strides = array<i32>} : memref<256xf32, #tpu.memory_space<vmem>>, vector<16xf32>,
        %sub3A_658 = arith.subf %get3A_657, %min3A_381 : vector<16xf32>
        %mul3A_659 = arith.mulf %sub3A_658, %div3A_397 : vector<16xf32>
        %convert_element_type3A_660 = arith.fptosi %mul3A_659 : vector<16xf32> to vector<16xi32>
        %add3A_661 = arith.constant 1 : i32
        %add3A_662 = vector.broadcast %add3A_661 : i32 to vector<16xi32>
        %add3A_663 = arith.addi %convert_element_type3A_660, %add3A_662 : vector<16xi32>
        %min3A_664 = arith.constant 64 : i32
        %min3A_665 = vector.broadcast %min3A_664 : i32 to vector<16xi32>
        %min3A_666 = arith.minsi %add3A_663, %min3A_665 : vector<16xi32>
        %swap3A_667 = arith.constant 208 : index
        %swap3A_668 = tpu.vector_load %arg11[%swap3A_667] {strides = array<i32>} : memref<256xi32, #tpu.memory_space<vmem>>, vector<16xi32>,
        tpu.vector_store %arg11[%swap3A_667], %min3A_666 {strides = array<i32>} : memref<256xi32, #tpu.memory_space<vmem>>, vector<16xi32>,
        %add3A_669 = arith.constant 208 : i32
        %add3A_670 = vector.broadcast %add3A_669 : i32 to vector<16xi32>
        %add3A_671 = arith.addi %iota3A, %add3A_670 : vector<16xi32>
        tpu.vector_store_idx %arg9[%min3A_666, %add3A_671], %broadcast_in_dim3A_401 : memref<65x256xf32, #tpu.memory_space<vmem>>[vector<16xi32>, vector<16xi32>], vector<16xf32>,
        %get3A_672 = arith.constant 224 : index
        %get3A_673 = tpu.vector_load %arg7[%get3A_672] {strides = array<i32>} : memref<256xf32, #tpu.memory_space<vmem>>, vector<16xf32>,
        %sub3A_674 = arith.subf %get3A_673, %min3A_381 : vector<16xf32>
        %mul3A_675 = arith.mulf %sub3A_674, %div3A_397 : vector<16xf32>
        %convert_element_type3A_676 = arith.fptosi %mul3A_675 : vector<16xf32> to vector<16xi32>
        %add3A_677 = arith.constant 1 : i32
        %add3A_678 = vector.broadcast %add3A_677 : i32 to vector<16xi32>
        %add3A_679 = arith.addi %convert_element_type3A_676, %add3A_678 : vector<16xi32>
        %min3A_680 = arith.constant 64 : i32
        %min3A_681 = vector.broadcast %min3A_680 : i32 to vector<16xi32>
        %min3A_682 = arith.minsi %add3A_679, %min3A_681 : vector<16xi32>
        %swap3A_683 = arith.constant 224 : index
        %swap3A_684 = tpu.vector_load %arg11[%swap3A_683] {strides = array<i32>} : memref<256xi32, #tpu.memory_space<vmem>>, vector<16xi32>,
        tpu.vector_store %arg11[%swap3A_683], %min3A_682 {strides = array<i32>} : memref<256xi32, #tpu.memory_space<vmem>>, vector<16xi32>,
        %add3A_685 = arith.constant 224 : i32
        %add3A_686 = vector.broadcast %add3A_685 : i32 to vector<16xi32>
        %add3A_687 = arith.addi %iota3A, %add3A_686 : vector<16xi32>
        tpu.vector_store_idx %arg9[%min3A_682, %add3A_687], %broadcast_in_dim3A_401 : memref<65x256xf32, #tpu.memory_space<vmem>>[vector<16xi32>, vector<16xi32>], vector<16xf32>,
        %get3A_688 = arith.constant 240 : index
        %get3A_689 = tpu.vector_load %arg7[%get3A_688] {strides = array<i32>} : memref<256xf32, #tpu.memory_space<vmem>>, vector<16xf32>,
        %sub3A_690 = arith.subf %get3A_689, %min3A_381 : vector<16xf32>
        %mul3A_691 = arith.mulf %sub3A_690, %div3A_397 : vector<16xf32>
        %convert_element_type3A_692 = arith.fptosi %mul3A_691 : vector<16xf32> to vector<16xi32>
        %add3A_693 = arith.constant 1 : i32
        %add3A_694 = vector.broadcast %add3A_693 : i32 to vector<16xi32>
        %add3A_695 = arith.addi %convert_element_type3A_692, %add3A_694 : vector<16xi32>
        %min3A_696 = arith.constant 64 : i32
        %min3A_697 = vector.broadcast %min3A_696 : i32 to vector<16xi32>
        %min3A_698 = arith.minsi %add3A_695, %min3A_697 : vector<16xi32>
        %swap3A_699 = arith.constant 240 : index
        %swap3A_700 = tpu.vector_load %arg11[%swap3A_699] {strides = array<i32>} : memref<256xi32, #tpu.memory_space<vmem>>, vector<16xi32>,
        tpu.vector_store %arg11[%swap3A_699], %min3A_698 {strides = array<i32>} : memref<256xi32, #tpu.memory_space<vmem>>, vector<16xi32>,
        %add3A_701 = arith.constant 240 : i32
        %add3A_702 = vector.broadcast %add3A_701 : i32 to vector<16xi32>
        %add3A_703 = arith.addi %iota3A, %add3A_702 : vector<16xi32>
        tpu.vector_store_idx %arg9[%min3A_698, %add3A_703], %broadcast_in_dim3A_401 : memref<65x256xf32, #tpu.memory_space<vmem>>[vector<16xi32>, vector<16xi32>], vector<16xf32>,
        %add3A_704 = arith.constant 2 : i32
        %add3A_705 = arith.addi %scan3A_429, %add3A_704 : i32
        %lt3A_706 = arith.constant 64 : i32
        %lt3A_707 = arith.cmpi slt, %add3A_705, %lt3A_706 : i32
        %convert_element_type3A_708 = arith.extui %lt3A_707 : i1 to i32
        %cond3A_709 = arith.constant 0 : i32
        %cond3A_710 = arith.cmpi ne, %convert_element_type3A_708, %cond3A_709 : i32
        scf.if %cond3A_710 {
          %add3A_718 = arith.constant 2 : i32
          %add3A_719 = arith.addi %scan3A_429, %add3A_718 : i32
          %mul3A_720 = arith.constant 256 : i32
          %mul3A_721 = arith.muli %add3A_719, %mul3A_720 : i32
          %add3A_722 = arith.addi %mul3A_399, %mul3A_721 : i32
          %dma_start3A_723 = tpu.memref_slice %arg2[%add3A_722] : memref<524288xf32, #tpu.memory_space<hbm>> -> memref<256xf32, #tpu.memory_space<hbm>>
          %dma_start3A_724 = tpu.memref_slice %arg2[%add3A_722] : memref<524288xf32, #tpu.memory_space<hbm>> -> memref<256xf32, #tpu.memory_space<hbm>>
          tpu.enqueue_dma source(%dma_start3A_724 : memref<256xf32, #tpu.memory_space<hbm>>) target(%arg7 : memref<256xf32, #tpu.memory_space<vmem>>) target_semaphore(%arg16 : memref<!tpu.dma_semaphore, #tpu.memory_space<semaphore_mem>>)
        } else {
        }
        %mul3A_711 = arith.constant 256 : i32
        %mul3A_712 = arith.muli %scan3A_429, %mul3A_711 : i32
        %add3A_713 = arith.addi %mul3A_399, %mul3A_712 : i32
        %dma_start3A_714 = arith.constant 0 : i32
        %dma_start3A_715 = tpu.memref_slice %arg4[%dma_start3A_714, %add3A_713] : memref<65x524288xf32, #tpu.memory_space<hbm>> -> memref<65x256xf32, #tpu.memory_space<hbm>>
        %dma_start3A_716 = arith.constant 0 : i32
        %dma_start3A_717 = tpu.memref_slice %arg4[%dma_start3A_716, %add3A_713] : memref<65x524288xf32, #tpu.memory_space<hbm>> -> memref<65x256xf32, #tpu.memory_space<hbm>>
        tpu.enqueue_dma source(%arg9 : memref<65x256xf32, #tpu.memory_space<vmem>>) target(%dma_start3A_717 : memref<65x256xf32, #tpu.memory_space<hbm>>) target_semaphore(%arg14 : memref<!tpu.dma_semaphore, #tpu.memory_space<semaphore_mem>>)
      } else {
      }
      %eq3A_434 = arith.constant 1 : i32
      %eq3A_435 = arith.cmpi eq, %rem3A_431, %eq3A_434 : i32
      %convert_element_type3A_436 = arith.extui %eq3A_435 : i1 to i32
      %cond3A_437 = arith.constant 0 : i32
      %cond3A_438 = arith.cmpi ne, %convert_element_type3A_436, %cond3A_437 : i32
      scf.if %cond3A_438 {
        %ge3A = arith.constant 2 : i32
        %ge3A_440 = arith.cmpi sge, %scan3A_429, %ge3A : i32
        %convert_element_type3A_441 = arith.extui %ge3A_440 : i1 to i32
        %cond3A_442 = arith.constant 0 : i32
        %cond3A_443 = arith.cmpi ne, %convert_element_type3A_441, %cond3A_442 : i32
        scf.if %cond3A_443 {
          %dma_wait3A_718 = arith.constant 0 : i32
          %dma_wait3A_719 = arith.constant 0 : i32
          %dma_wait3A_720 = tpu.memref_slice %arg4[%dma_wait3A_718, %dma_wait3A_719] : memref<65x524288xf32, #tpu.memory_space<hbm>> -> memref<65x256xf32, #tpu.memory_space<hbm>>
          %dma_wait3A_721 = arith.constant 0 : i32
          %dma_wait3A_722 = arith.constant 0 : i32
          %dma_wait3A_723 = tpu.memref_slice %arg4[%dma_wait3A_721, %dma_wait3A_722] : memref<65x524288xf32, #tpu.memory_space<hbm>> -> memref<65x256xf32, #tpu.memory_space<hbm>>
          tpu.wait_dma2 semaphore(%arg15 : memref<!tpu.dma_semaphore, #tpu.memory_space<semaphore_mem>>) src(%arg10 : memref<65x256xf32, #tpu.memory_space<vmem>>) dst(%dma_wait3A_723 : memref<65x256xf32, #tpu.memory_space<hbm>>)
          %add3A_724 = arith.constant 0 : i32
          %add3A_725 = vector.broadcast %add3A_724 : i32 to vector<16xi32>
          %add3A_726 = arith.addi %iota3A, %add3A_725 : vector<16xi32>
          %get3A_727 = arith.constant 0 : index
          %get3A_728 = tpu.vector_load %arg12[%get3A_727] {strides = array<i32>} : memref<256xi32, #tpu.memory_space<vmem>>, vector<16xi32>,
          tpu.vector_store_idx %arg10[%get3A_728, %add3A_726], %broadcast_in_dim3A_403 : memref<65x256xf32, #tpu.memory_space<vmem>>[vector<16xi32>, vector<16xi32>], vector<16xf32>,
          %add3A_729 = arith.constant 16 : i32
          %add3A_730 = vector.broadcast %add3A_729 : i32 to vector<16xi32>
          %add3A_731 = arith.addi %iota3A, %add3A_730 : vector<16xi32>
          %get3A_732 = arith.constant 16 : index
          %get3A_733 = tpu.vector_load %arg12[%get3A_732] {strides = array<i32>} : memref<256xi32, #tpu.memory_space<vmem>>, vector<16xi32>,
          tpu.vector_store_idx %arg10[%get3A_733, %add3A_731], %broadcast_in_dim3A_403 : memref<65x256xf32, #tpu.memory_space<vmem>>[vector<16xi32>, vector<16xi32>], vector<16xf32>,
          %add3A_734 = arith.constant 32 : i32
          %add3A_735 = vector.broadcast %add3A_734 : i32 to vector<16xi32>
          %add3A_736 = arith.addi %iota3A, %add3A_735 : vector<16xi32>
          %get3A_737 = arith.constant 32 : index
          %get3A_738 = tpu.vector_load %arg12[%get3A_737] {strides = array<i32>} : memref<256xi32, #tpu.memory_space<vmem>>, vector<16xi32>,
          tpu.vector_store_idx %arg10[%get3A_738, %add3A_736], %broadcast_in_dim3A_403 : memref<65x256xf32, #tpu.memory_space<vmem>>[vector<16xi32>, vector<16xi32>], vector<16xf32>,
          %add3A_739 = arith.constant 48 : i32
          %add3A_740 = vector.broadcast %add3A_739 : i32 to vector<16xi32>
          %add3A_741 = arith.addi %iota3A, %add3A_740 : vector<16xi32>
          %get3A_742 = arith.constant 48 : index
          %get3A_743 = tpu.vector_load %arg12[%get3A_742] {strides = array<i32>} : memref<256xi32, #tpu.memory_space<vmem>>, vector<16xi32>,
          tpu.vector_store_idx %arg10[%get3A_743, %add3A_741], %broadcast_in_dim3A_403 : memref<65x256xf32, #tpu.memory_space<vmem>>[vector<16xi32>, vector<16xi32>], vector<16xf32>,
          %add3A_744 = arith.constant 64 : i32
          %add3A_745 = vector.broadcast %add3A_744 : i32 to vector<16xi32>
          %add3A_746 = arith.addi %iota3A, %add3A_745 : vector<16xi32>
          %get3A_747 = arith.constant 64 : index
          %get3A_748 = tpu.vector_load %arg12[%get3A_747] {strides = array<i32>} : memref<256xi32, #tpu.memory_space<vmem>>, vector<16xi32>,
          tpu.vector_store_idx %arg10[%get3A_748, %add3A_746], %broadcast_in_dim3A_403 : memref<65x256xf32, #tpu.memory_space<vmem>>[vector<16xi32>, vector<16xi32>], vector<16xf32>,
          %add3A_749 = arith.constant 80 : i32
          %add3A_750 = vector.broadcast %add3A_749 : i32 to vector<16xi32>
          %add3A_751 = arith.addi %iota3A, %add3A_750 : vector<16xi32>
          %get3A_752 = arith.constant 80 : index
          %get3A_753 = tpu.vector_load %arg12[%get3A_752] {strides = array<i32>} : memref<256xi32, #tpu.memory_space<vmem>>, vector<16xi32>,
          tpu.vector_store_idx %arg10[%get3A_753, %add3A_751], %broadcast_in_dim3A_403 : memref<65x256xf32, #tpu.memory_space<vmem>>[vector<16xi32>, vector<16xi32>], vector<16xf32>,
          %add3A_754 = arith.constant 96 : i32
          %add3A_755 = vector.broadcast %add3A_754 : i32 to vector<16xi32>
          %add3A_756 = arith.addi %iota3A, %add3A_755 : vector<16xi32>
          %get3A_757 = arith.constant 96 : index
          %get3A_758 = tpu.vector_load %arg12[%get3A_757] {strides = array<i32>} : memref<256xi32, #tpu.memory_space<vmem>>, vector<16xi32>,
          tpu.vector_store_idx %arg10[%get3A_758, %add3A_756], %broadcast_in_dim3A_403 : memref<65x256xf32, #tpu.memory_space<vmem>>[vector<16xi32>, vector<16xi32>], vector<16xf32>,
          %add3A_759 = arith.constant 112 : i32
          %add3A_760 = vector.broadcast %add3A_759 : i32 to vector<16xi32>
          %add3A_761 = arith.addi %iota3A, %add3A_760 : vector<16xi32>
          %get3A_762 = arith.constant 112 : index
          %get3A_763 = tpu.vector_load %arg12[%get3A_762] {strides = array<i32>} : memref<256xi32, #tpu.memory_space<vmem>>, vector<16xi32>,
          tpu.vector_store_idx %arg10[%get3A_763, %add3A_761], %broadcast_in_dim3A_403 : memref<65x256xf32, #tpu.memory_space<vmem>>[vector<16xi32>, vector<16xi32>], vector<16xf32>,
          %add3A_764 = arith.constant 128 : i32
          %add3A_765 = vector.broadcast %add3A_764 : i32 to vector<16xi32>
          %add3A_766 = arith.addi %iota3A, %add3A_765 : vector<16xi32>
          %get3A_767 = arith.constant 128 : index
          %get3A_768 = tpu.vector_load %arg12[%get3A_767] {strides = array<i32>} : memref<256xi32, #tpu.memory_space<vmem>>, vector<16xi32>,
          tpu.vector_store_idx %arg10[%get3A_768, %add3A_766], %broadcast_in_dim3A_403 : memref<65x256xf32, #tpu.memory_space<vmem>>[vector<16xi32>, vector<16xi32>], vector<16xf32>,
          %add3A_769 = arith.constant 144 : i32
          %add3A_770 = vector.broadcast %add3A_769 : i32 to vector<16xi32>
          %add3A_771 = arith.addi %iota3A, %add3A_770 : vector<16xi32>
          %get3A_772 = arith.constant 144 : index
          %get3A_773 = tpu.vector_load %arg12[%get3A_772] {strides = array<i32>} : memref<256xi32, #tpu.memory_space<vmem>>, vector<16xi32>,
          tpu.vector_store_idx %arg10[%get3A_773, %add3A_771], %broadcast_in_dim3A_403 : memref<65x256xf32, #tpu.memory_space<vmem>>[vector<16xi32>, vector<16xi32>], vector<16xf32>,
          %add3A_774 = arith.constant 160 : i32
          %add3A_775 = vector.broadcast %add3A_774 : i32 to vector<16xi32>
          %add3A_776 = arith.addi %iota3A, %add3A_775 : vector<16xi32>
          %get3A_777 = arith.constant 160 : index
          %get3A_778 = tpu.vector_load %arg12[%get3A_777] {strides = array<i32>} : memref<256xi32, #tpu.memory_space<vmem>>, vector<16xi32>,
          tpu.vector_store_idx %arg10[%get3A_778, %add3A_776], %broadcast_in_dim3A_403 : memref<65x256xf32, #tpu.memory_space<vmem>>[vector<16xi32>, vector<16xi32>], vector<16xf32>,
          %add3A_779 = arith.constant 176 : i32
          %add3A_780 = vector.broadcast %add3A_779 : i32 to vector<16xi32>
          %add3A_781 = arith.addi %iota3A, %add3A_780 : vector<16xi32>
          %get3A_782 = arith.constant 176 : index
          %get3A_783 = tpu.vector_load %arg12[%get3A_782] {strides = array<i32>} : memref<256xi32, #tpu.memory_space<vmem>>, vector<16xi32>,
          tpu.vector_store_idx %arg10[%get3A_783, %add3A_781], %broadcast_in_dim3A_403 : memref<65x256xf32, #tpu.memory_space<vmem>>[vector<16xi32>, vector<16xi32>], vector<16xf32>,
          %add3A_784 = arith.constant 192 : i32
          %add3A_785 = vector.broadcast %add3A_784 : i32 to vector<16xi32>
          %add3A_786 = arith.addi %iota3A, %add3A_785 : vector<16xi32>
          %get3A_787 = arith.constant 192 : index
          %get3A_788 = tpu.vector_load %arg12[%get3A_787] {strides = array<i32>} : memref<256xi32, #tpu.memory_space<vmem>>, vector<16xi32>,
          tpu.vector_store_idx %arg10[%get3A_788, %add3A_786], %broadcast_in_dim3A_403 : memref<65x256xf32, #tpu.memory_space<vmem>>[vector<16xi32>, vector<16xi32>], vector<16xf32>,
          %add3A_789 = arith.constant 208 : i32
          %add3A_790 = vector.broadcast %add3A_789 : i32 to vector<16xi32>
          %add3A_791 = arith.addi %iota3A, %add3A_790 : vector<16xi32>
          %get3A_792 = arith.constant 208 : index
          %get3A_793 = tpu.vector_load %arg12[%get3A_792] {strides = array<i32>} : memref<256xi32, #tpu.memory_space<vmem>>, vector<16xi32>,
          tpu.vector_store_idx %arg10[%get3A_793, %add3A_791], %broadcast_in_dim3A_403 : memref<65x256xf32, #tpu.memory_space<vmem>>[vector<16xi32>, vector<16xi32>], vector<16xf32>,
          %add3A_794 = arith.constant 224 : i32
          %add3A_795 = vector.broadcast %add3A_794 : i32 to vector<16xi32>
          %add3A_796 = arith.addi %iota3A, %add3A_795 : vector<16xi32>
          %get3A_797 = arith.constant 224 : index
          %get3A_798 = tpu.vector_load %arg12[%get3A_797] {strides = array<i32>} : memref<256xi32, #tpu.memory_space<vmem>>, vector<16xi32>,
          tpu.vector_store_idx %arg10[%get3A_798, %add3A_796], %broadcast_in_dim3A_403 : memref<65x256xf32, #tpu.memory_space<vmem>>[vector<16xi32>, vector<16xi32>], vector<16xf32>,
          %add3A_799 = arith.constant 240 : i32
          %add3A_800 = vector.broadcast %add3A_799 : i32 to vector<16xi32>
          %add3A_801 = arith.addi %iota3A, %add3A_800 : vector<16xi32>
          %get3A_802 = arith.constant 240 : index
          %get3A_803 = tpu.vector_load %arg12[%get3A_802] {strides = array<i32>} : memref<256xi32, #tpu.memory_space<vmem>>, vector<16xi32>,
          tpu.vector_store_idx %arg10[%get3A_803, %add3A_801], %broadcast_in_dim3A_403 : memref<65x256xf32, #tpu.memory_space<vmem>>[vector<16xi32>, vector<16xi32>], vector<16xf32>,
        } else {
        }
        %add3A_444 = arith.constant 0 : i32
        %add3A_445 = arith.addi %mul3A_399, %add3A_444 : i32
        %dma_wait3A_446 = tpu.memref_slice %arg2[%add3A_445] : memref<524288xf32, #tpu.memory_space<hbm>> -> memref<256xf32, #tpu.memory_space<hbm>>
        %dma_wait3A_447 = tpu.memref_slice %arg2[%add3A_445] : memref<524288xf32, #tpu.memory_space<hbm>> -> memref<256xf32, #tpu.memory_space<hbm>>
        tpu.wait_dma2 semaphore(%arg17 : memref<!tpu.dma_semaphore, #tpu.memory_space<semaphore_mem>>) src(%dma_wait3A_447 : memref<256xf32, #tpu.memory_space<hbm>>) dst(%arg8 : memref<256xf32, #tpu.memory_space<vmem>>)
        %get3A_448 = arith.constant 0 : index
        %get3A_449 = tpu.vector_load %arg8[%get3A_448] {strides = array<i32>} : memref<256xf32, #tpu.memory_space<vmem>>, vector<16xf32>,
        %sub3A_450 = arith.subf %get3A_449, %min3A_381 : vector<16xf32>
        %mul3A_451 = arith.mulf %sub3A_450, %div3A_397 : vector<16xf32>
        %convert_element_type3A_452 = arith.fptosi %mul3A_451 : vector<16xf32> to vector<16xi32>
        %add3A_453 = arith.constant 1 : i32
        %add3A_454 = vector.broadcast %add3A_453 : i32 to vector<16xi32>
        %add3A_455 = arith.addi %convert_element_type3A_452, %add3A_454 : vector<16xi32>
        %min3A_456 = arith.constant 64 : i32
        %min3A_457 = vector.broadcast %min3A_456 : i32 to vector<16xi32>
        %min3A_458 = arith.minsi %add3A_455, %min3A_457 : vector<16xi32>
        %swap3A_459 = arith.constant 0 : index
        %swap3A_460 = tpu.vector_load %arg12[%swap3A_459] {strides = array<i32>} : memref<256xi32, #tpu.memory_space<vmem>>, vector<16xi32>,
        tpu.vector_store %arg12[%swap3A_459], %min3A_458 {strides = array<i32>} : memref<256xi32, #tpu.memory_space<vmem>>, vector<16xi32>,
        %add3A_461 = arith.constant 0 : i32
        %add3A_462 = vector.broadcast %add3A_461 : i32 to vector<16xi32>
        %add3A_463 = arith.addi %iota3A, %add3A_462 : vector<16xi32>
        tpu.vector_store_idx %arg10[%min3A_458, %add3A_463], %broadcast_in_dim3A_401 : memref<65x256xf32, #tpu.memory_space<vmem>>[vector<16xi32>, vector<16xi32>], vector<16xf32>,
        %get3A_464 = arith.constant 16 : index
        %get3A_465 = tpu.vector_load %arg8[%get3A_464] {strides = array<i32>} : memref<256xf32, #tpu.memory_space<vmem>>, vector<16xf32>,
        %sub3A_466 = arith.subf %get3A_465, %min3A_381 : vector<16xf32>
        %mul3A_467 = arith.mulf %sub3A_466, %div3A_397 : vector<16xf32>
        %convert_element_type3A_468 = arith.fptosi %mul3A_467 : vector<16xf32> to vector<16xi32>
        %add3A_469 = arith.constant 1 : i32
        %add3A_470 = vector.broadcast %add3A_469 : i32 to vector<16xi32>
        %add3A_471 = arith.addi %convert_element_type3A_468, %add3A_470 : vector<16xi32>
        %min3A_472 = arith.constant 64 : i32
        %min3A_473 = vector.broadcast %min3A_472 : i32 to vector<16xi32>
        %min3A_474 = arith.minsi %add3A_471, %min3A_473 : vector<16xi32>
        %swap3A_475 = arith.constant 16 : index
        %swap3A_476 = tpu.vector_load %arg12[%swap3A_475] {strides = array<i32>} : memref<256xi32, #tpu.memory_space<vmem>>, vector<16xi32>,
        tpu.vector_store %arg12[%swap3A_475], %min3A_474 {strides = array<i32>} : memref<256xi32, #tpu.memory_space<vmem>>, vector<16xi32>,
        %add3A_477 = arith.constant 16 : i32
        %add3A_478 = vector.broadcast %add3A_477 : i32 to vector<16xi32>
        %add3A_479 = arith.addi %iota3A, %add3A_478 : vector<16xi32>
        tpu.vector_store_idx %arg10[%min3A_474, %add3A_479], %broadcast_in_dim3A_401 : memref<65x256xf32, #tpu.memory_space<vmem>>[vector<16xi32>, vector<16xi32>], vector<16xf32>,
        %get3A_480 = arith.constant 32 : index
        %get3A_481 = tpu.vector_load %arg8[%get3A_480] {strides = array<i32>} : memref<256xf32, #tpu.memory_space<vmem>>, vector<16xf32>,
        %sub3A_482 = arith.subf %get3A_481, %min3A_381 : vector<16xf32>
        %mul3A_483 = arith.mulf %sub3A_482, %div3A_397 : vector<16xf32>
        %convert_element_type3A_484 = arith.fptosi %mul3A_483 : vector<16xf32> to vector<16xi32>
        %add3A_485 = arith.constant 1 : i32
        %add3A_486 = vector.broadcast %add3A_485 : i32 to vector<16xi32>
        %add3A_487 = arith.addi %convert_element_type3A_484, %add3A_486 : vector<16xi32>
        %min3A_488 = arith.constant 64 : i32
        %min3A_489 = vector.broadcast %min3A_488 : i32 to vector<16xi32>
        %min3A_490 = arith.minsi %add3A_487, %min3A_489 : vector<16xi32>
        %swap3A_491 = arith.constant 32 : index
        %swap3A_492 = tpu.vector_load %arg12[%swap3A_491] {strides = array<i32>} : memref<256xi32, #tpu.memory_space<vmem>>, vector<16xi32>,
        tpu.vector_store %arg12[%swap3A_491], %min3A_490 {strides = array<i32>} : memref<256xi32, #tpu.memory_space<vmem>>, vector<16xi32>,
        %add3A_493 = arith.constant 32 : i32
        %add3A_494 = vector.broadcast %add3A_493 : i32 to vector<16xi32>
        %add3A_495 = arith.addi %iota3A, %add3A_494 : vector<16xi32>
        tpu.vector_store_idx %arg10[%min3A_490, %add3A_495], %broadcast_in_dim3A_401 : memref<65x256xf32, #tpu.memory_space<vmem>>[vector<16xi32>, vector<16xi32>], vector<16xf32>,
        %get3A_496 = arith.constant 48 : index
        %get3A_497 = tpu.vector_load %arg8[%get3A_496] {strides = array<i32>} : memref<256xf32, #tpu.memory_space<vmem>>, vector<16xf32>,
        %sub3A_498 = arith.subf %get3A_497, %min3A_381 : vector<16xf32>
        %mul3A_499 = arith.mulf %sub3A_498, %div3A_397 : vector<16xf32>
        %convert_element_type3A_500 = arith.fptosi %mul3A_499 : vector<16xf32> to vector<16xi32>
        %add3A_501 = arith.constant 1 : i32
        %add3A_502 = vector.broadcast %add3A_501 : i32 to vector<16xi32>
        %add3A_503 = arith.addi %convert_element_type3A_500, %add3A_502 : vector<16xi32>
        %min3A_504 = arith.constant 64 : i32
        %min3A_505 = vector.broadcast %min3A_504 : i32 to vector<16xi32>
        %min3A_506 = arith.minsi %add3A_503, %min3A_505 : vector<16xi32>
        %swap3A_507 = arith.constant 48 : index
        %swap3A_508 = tpu.vector_load %arg12[%swap3A_507] {strides = array<i32>} : memref<256xi32, #tpu.memory_space<vmem>>, vector<16xi32>,
        tpu.vector_store %arg12[%swap3A_507], %min3A_506 {strides = array<i32>} : memref<256xi32, #tpu.memory_space<vmem>>, vector<16xi32>,
        %add3A_509 = arith.constant 48 : i32
        %add3A_510 = vector.broadcast %add3A_509 : i32 to vector<16xi32>
        %add3A_511 = arith.addi %iota3A, %add3A_510 : vector<16xi32>
        tpu.vector_store_idx %arg10[%min3A_506, %add3A_511], %broadcast_in_dim3A_401 : memref<65x256xf32, #tpu.memory_space<vmem>>[vector<16xi32>, vector<16xi32>], vector<16xf32>,
        %get3A_512 = arith.constant 64 : index
        %get3A_513 = tpu.vector_load %arg8[%get3A_512] {strides = array<i32>} : memref<256xf32, #tpu.memory_space<vmem>>, vector<16xf32>,
        %sub3A_514 = arith.subf %get3A_513, %min3A_381 : vector<16xf32>
        %mul3A_515 = arith.mulf %sub3A_514, %div3A_397 : vector<16xf32>
        %convert_element_type3A_516 = arith.fptosi %mul3A_515 : vector<16xf32> to vector<16xi32>
        %add3A_517 = arith.constant 1 : i32
        %add3A_518 = vector.broadcast %add3A_517 : i32 to vector<16xi32>
        %add3A_519 = arith.addi %convert_element_type3A_516, %add3A_518 : vector<16xi32>
        %min3A_520 = arith.constant 64 : i32
        %min3A_521 = vector.broadcast %min3A_520 : i32 to vector<16xi32>
        %min3A_522 = arith.minsi %add3A_519, %min3A_521 : vector<16xi32>
        %swap3A_523 = arith.constant 64 : index
        %swap3A_524 = tpu.vector_load %arg12[%swap3A_523] {strides = array<i32>} : memref<256xi32, #tpu.memory_space<vmem>>, vector<16xi32>,
        tpu.vector_store %arg12[%swap3A_523], %min3A_522 {strides = array<i32>} : memref<256xi32, #tpu.memory_space<vmem>>, vector<16xi32>,
        %add3A_525 = arith.constant 64 : i32
        %add3A_526 = vector.broadcast %add3A_525 : i32 to vector<16xi32>
        %add3A_527 = arith.addi %iota3A, %add3A_526 : vector<16xi32>
        tpu.vector_store_idx %arg10[%min3A_522, %add3A_527], %broadcast_in_dim3A_401 : memref<65x256xf32, #tpu.memory_space<vmem>>[vector<16xi32>, vector<16xi32>], vector<16xf32>,
        %get3A_528 = arith.constant 80 : index
        %get3A_529 = tpu.vector_load %arg8[%get3A_528] {strides = array<i32>} : memref<256xf32, #tpu.memory_space<vmem>>, vector<16xf32>,
        %sub3A_530 = arith.subf %get3A_529, %min3A_381 : vector<16xf32>
        %mul3A_531 = arith.mulf %sub3A_530, %div3A_397 : vector<16xf32>
        %convert_element_type3A_532 = arith.fptosi %mul3A_531 : vector<16xf32> to vector<16xi32>
        %add3A_533 = arith.constant 1 : i32
        %add3A_534 = vector.broadcast %add3A_533 : i32 to vector<16xi32>
        %add3A_535 = arith.addi %convert_element_type3A_532, %add3A_534 : vector<16xi32>
        %min3A_536 = arith.constant 64 : i32
        %min3A_537 = vector.broadcast %min3A_536 : i32 to vector<16xi32>
        %min3A_538 = arith.minsi %add3A_535, %min3A_537 : vector<16xi32>
        %swap3A_539 = arith.constant 80 : index
        %swap3A_540 = tpu.vector_load %arg12[%swap3A_539] {strides = array<i32>} : memref<256xi32, #tpu.memory_space<vmem>>, vector<16xi32>,
        tpu.vector_store %arg12[%swap3A_539], %min3A_538 {strides = array<i32>} : memref<256xi32, #tpu.memory_space<vmem>>, vector<16xi32>,
        %add3A_541 = arith.constant 80 : i32
        %add3A_542 = vector.broadcast %add3A_541 : i32 to vector<16xi32>
        %add3A_543 = arith.addi %iota3A, %add3A_542 : vector<16xi32>
        tpu.vector_store_idx %arg10[%min3A_538, %add3A_543], %broadcast_in_dim3A_401 : memref<65x256xf32, #tpu.memory_space<vmem>>[vector<16xi32>, vector<16xi32>], vector<16xf32>,
        %get3A_544 = arith.constant 96 : index
        %get3A_545 = tpu.vector_load %arg8[%get3A_544] {strides = array<i32>} : memref<256xf32, #tpu.memory_space<vmem>>, vector<16xf32>,
        %sub3A_546 = arith.subf %get3A_545, %min3A_381 : vector<16xf32>
        %mul3A_547 = arith.mulf %sub3A_546, %div3A_397 : vector<16xf32>
        %convert_element_type3A_548 = arith.fptosi %mul3A_547 : vector<16xf32> to vector<16xi32>
        %add3A_549 = arith.constant 1 : i32
        %add3A_550 = vector.broadcast %add3A_549 : i32 to vector<16xi32>
        %add3A_551 = arith.addi %convert_element_type3A_548, %add3A_550 : vector<16xi32>
        %min3A_552 = arith.constant 64 : i32
        %min3A_553 = vector.broadcast %min3A_552 : i32 to vector<16xi32>
        %min3A_554 = arith.minsi %add3A_551, %min3A_553 : vector<16xi32>
        %swap3A_555 = arith.constant 96 : index
        %swap3A_556 = tpu.vector_load %arg12[%swap3A_555] {strides = array<i32>} : memref<256xi32, #tpu.memory_space<vmem>>, vector<16xi32>,
        tpu.vector_store %arg12[%swap3A_555], %min3A_554 {strides = array<i32>} : memref<256xi32, #tpu.memory_space<vmem>>, vector<16xi32>,
        %add3A_557 = arith.constant 96 : i32
        %add3A_558 = vector.broadcast %add3A_557 : i32 to vector<16xi32>
        %add3A_559 = arith.addi %iota3A, %add3A_558 : vector<16xi32>
        tpu.vector_store_idx %arg10[%min3A_554, %add3A_559], %broadcast_in_dim3A_401 : memref<65x256xf32, #tpu.memory_space<vmem>>[vector<16xi32>, vector<16xi32>], vector<16xf32>,
        %get3A_560 = arith.constant 112 : index
        %get3A_561 = tpu.vector_load %arg8[%get3A_560] {strides = array<i32>} : memref<256xf32, #tpu.memory_space<vmem>>, vector<16xf32>,
        %sub3A_562 = arith.subf %get3A_561, %min3A_381 : vector<16xf32>
        %mul3A_563 = arith.mulf %sub3A_562, %div3A_397 : vector<16xf32>
        %convert_element_type3A_564 = arith.fptosi %mul3A_563 : vector<16xf32> to vector<16xi32>
        %add3A_565 = arith.constant 1 : i32
        %add3A_566 = vector.broadcast %add3A_565 : i32 to vector<16xi32>
        %add3A_567 = arith.addi %convert_element_type3A_564, %add3A_566 : vector<16xi32>
        %min3A_568 = arith.constant 64 : i32
        %min3A_569 = vector.broadcast %min3A_568 : i32 to vector<16xi32>
        %min3A_570 = arith.minsi %add3A_567, %min3A_569 : vector<16xi32>
        %swap3A_571 = arith.constant 112 : index
        %swap3A_572 = tpu.vector_load %arg12[%swap3A_571] {strides = array<i32>} : memref<256xi32, #tpu.memory_space<vmem>>, vector<16xi32>,
        tpu.vector_store %arg12[%swap3A_571], %min3A_570 {strides = array<i32>} : memref<256xi32, #tpu.memory_space<vmem>>, vector<16xi32>,
        %add3A_573 = arith.constant 112 : i32
        %add3A_574 = vector.broadcast %add3A_573 : i32 to vector<16xi32>
        %add3A_575 = arith.addi %iota3A, %add3A_574 : vector<16xi32>
        tpu.vector_store_idx %arg10[%min3A_570, %add3A_575], %broadcast_in_dim3A_401 : memref<65x256xf32, #tpu.memory_space<vmem>>[vector<16xi32>, vector<16xi32>], vector<16xf32>,
        %get3A_576 = arith.constant 128 : index
        %get3A_577 = tpu.vector_load %arg8[%get3A_576] {strides = array<i32>} : memref<256xf32, #tpu.memory_space<vmem>>, vector<16xf32>,
        %sub3A_578 = arith.subf %get3A_577, %min3A_381 : vector<16xf32>
        %mul3A_579 = arith.mulf %sub3A_578, %div3A_397 : vector<16xf32>
        %convert_element_type3A_580 = arith.fptosi %mul3A_579 : vector<16xf32> to vector<16xi32>
        %add3A_581 = arith.constant 1 : i32
        %add3A_582 = vector.broadcast %add3A_581 : i32 to vector<16xi32>
        %add3A_583 = arith.addi %convert_element_type3A_580, %add3A_582 : vector<16xi32>
        %min3A_584 = arith.constant 64 : i32
        %min3A_585 = vector.broadcast %min3A_584 : i32 to vector<16xi32>
        %min3A_586 = arith.minsi %add3A_583, %min3A_585 : vector<16xi32>
        %swap3A_587 = arith.constant 128 : index
        %swap3A_588 = tpu.vector_load %arg12[%swap3A_587] {strides = array<i32>} : memref<256xi32, #tpu.memory_space<vmem>>, vector<16xi32>,
        tpu.vector_store %arg12[%swap3A_587], %min3A_586 {strides = array<i32>} : memref<256xi32, #tpu.memory_space<vmem>>, vector<16xi32>,
        %add3A_589 = arith.constant 128 : i32
        %add3A_590 = vector.broadcast %add3A_589 : i32 to vector<16xi32>
        %add3A_591 = arith.addi %iota3A, %add3A_590 : vector<16xi32>
        tpu.vector_store_idx %arg10[%min3A_586, %add3A_591], %broadcast_in_dim3A_401 : memref<65x256xf32, #tpu.memory_space<vmem>>[vector<16xi32>, vector<16xi32>], vector<16xf32>,
        %get3A_592 = arith.constant 144 : index
        %get3A_593 = tpu.vector_load %arg8[%get3A_592] {strides = array<i32>} : memref<256xf32, #tpu.memory_space<vmem>>, vector<16xf32>,
        %sub3A_594 = arith.subf %get3A_593, %min3A_381 : vector<16xf32>
        %mul3A_595 = arith.mulf %sub3A_594, %div3A_397 : vector<16xf32>
        %convert_element_type3A_596 = arith.fptosi %mul3A_595 : vector<16xf32> to vector<16xi32>
        %add3A_597 = arith.constant 1 : i32
        %add3A_598 = vector.broadcast %add3A_597 : i32 to vector<16xi32>
        %add3A_599 = arith.addi %convert_element_type3A_596, %add3A_598 : vector<16xi32>
        %min3A_600 = arith.constant 64 : i32
        %min3A_601 = vector.broadcast %min3A_600 : i32 to vector<16xi32>
        %min3A_602 = arith.minsi %add3A_599, %min3A_601 : vector<16xi32>
        %swap3A_603 = arith.constant 144 : index
        %swap3A_604 = tpu.vector_load %arg12[%swap3A_603] {strides = array<i32>} : memref<256xi32, #tpu.memory_space<vmem>>, vector<16xi32>,
        tpu.vector_store %arg12[%swap3A_603], %min3A_602 {strides = array<i32>} : memref<256xi32, #tpu.memory_space<vmem>>, vector<16xi32>,
        %add3A_605 = arith.constant 144 : i32
        %add3A_606 = vector.broadcast %add3A_605 : i32 to vector<16xi32>
        %add3A_607 = arith.addi %iota3A, %add3A_606 : vector<16xi32>
        tpu.vector_store_idx %arg10[%min3A_602, %add3A_607], %broadcast_in_dim3A_401 : memref<65x256xf32, #tpu.memory_space<vmem>>[vector<16xi32>, vector<16xi32>], vector<16xf32>,
        %get3A_608 = arith.constant 160 : index
        %get3A_609 = tpu.vector_load %arg8[%get3A_608] {strides = array<i32>} : memref<256xf32, #tpu.memory_space<vmem>>, vector<16xf32>,
        %sub3A_610 = arith.subf %get3A_609, %min3A_381 : vector<16xf32>
        %mul3A_611 = arith.mulf %sub3A_610, %div3A_397 : vector<16xf32>
        %convert_element_type3A_612 = arith.fptosi %mul3A_611 : vector<16xf32> to vector<16xi32>
        %add3A_613 = arith.constant 1 : i32
        %add3A_614 = vector.broadcast %add3A_613 : i32 to vector<16xi32>
        %add3A_615 = arith.addi %convert_element_type3A_612, %add3A_614 : vector<16xi32>
        %min3A_616 = arith.constant 64 : i32
        %min3A_617 = vector.broadcast %min3A_616 : i32 to vector<16xi32>
        %min3A_618 = arith.minsi %add3A_615, %min3A_617 : vector<16xi32>
        %swap3A_619 = arith.constant 160 : index
        %swap3A_620 = tpu.vector_load %arg12[%swap3A_619] {strides = array<i32>} : memref<256xi32, #tpu.memory_space<vmem>>, vector<16xi32>,
        tpu.vector_store %arg12[%swap3A_619], %min3A_618 {strides = array<i32>} : memref<256xi32, #tpu.memory_space<vmem>>, vector<16xi32>,
        %add3A_621 = arith.constant 160 : i32
        %add3A_622 = vector.broadcast %add3A_621 : i32 to vector<16xi32>
        %add3A_623 = arith.addi %iota3A, %add3A_622 : vector<16xi32>
        tpu.vector_store_idx %arg10[%min3A_618, %add3A_623], %broadcast_in_dim3A_401 : memref<65x256xf32, #tpu.memory_space<vmem>>[vector<16xi32>, vector<16xi32>], vector<16xf32>,
        %get3A_624 = arith.constant 176 : index
        %get3A_625 = tpu.vector_load %arg8[%get3A_624] {strides = array<i32>} : memref<256xf32, #tpu.memory_space<vmem>>, vector<16xf32>,
        %sub3A_626 = arith.subf %get3A_625, %min3A_381 : vector<16xf32>
        %mul3A_627 = arith.mulf %sub3A_626, %div3A_397 : vector<16xf32>
        %convert_element_type3A_628 = arith.fptosi %mul3A_627 : vector<16xf32> to vector<16xi32>
        %add3A_629 = arith.constant 1 : i32
        %add3A_630 = vector.broadcast %add3A_629 : i32 to vector<16xi32>
        %add3A_631 = arith.addi %convert_element_type3A_628, %add3A_630 : vector<16xi32>
        %min3A_632 = arith.constant 64 : i32
        %min3A_633 = vector.broadcast %min3A_632 : i32 to vector<16xi32>
        %min3A_634 = arith.minsi %add3A_631, %min3A_633 : vector<16xi32>
        %swap3A_635 = arith.constant 176 : index
        %swap3A_636 = tpu.vector_load %arg12[%swap3A_635] {strides = array<i32>} : memref<256xi32, #tpu.memory_space<vmem>>, vector<16xi32>,
        tpu.vector_store %arg12[%swap3A_635], %min3A_634 {strides = array<i32>} : memref<256xi32, #tpu.memory_space<vmem>>, vector<16xi32>,
        %add3A_637 = arith.constant 176 : i32
        %add3A_638 = vector.broadcast %add3A_637 : i32 to vector<16xi32>
        %add3A_639 = arith.addi %iota3A, %add3A_638 : vector<16xi32>
        tpu.vector_store_idx %arg10[%min3A_634, %add3A_639], %broadcast_in_dim3A_401 : memref<65x256xf32, #tpu.memory_space<vmem>>[vector<16xi32>, vector<16xi32>], vector<16xf32>,
        %get3A_640 = arith.constant 192 : index
        %get3A_641 = tpu.vector_load %arg8[%get3A_640] {strides = array<i32>} : memref<256xf32, #tpu.memory_space<vmem>>, vector<16xf32>,
        %sub3A_642 = arith.subf %get3A_641, %min3A_381 : vector<16xf32>
        %mul3A_643 = arith.mulf %sub3A_642, %div3A_397 : vector<16xf32>
        %convert_element_type3A_644 = arith.fptosi %mul3A_643 : vector<16xf32> to vector<16xi32>
        %add3A_645 = arith.constant 1 : i32
        %add3A_646 = vector.broadcast %add3A_645 : i32 to vector<16xi32>
        %add3A_647 = arith.addi %convert_element_type3A_644, %add3A_646 : vector<16xi32>
        %min3A_648 = arith.constant 64 : i32
        %min3A_649 = vector.broadcast %min3A_648 : i32 to vector<16xi32>
        %min3A_650 = arith.minsi %add3A_647, %min3A_649 : vector<16xi32>
        %swap3A_651 = arith.constant 192 : index
        %swap3A_652 = tpu.vector_load %arg12[%swap3A_651] {strides = array<i32>} : memref<256xi32, #tpu.memory_space<vmem>>, vector<16xi32>,
        tpu.vector_store %arg12[%swap3A_651], %min3A_650 {strides = array<i32>} : memref<256xi32, #tpu.memory_space<vmem>>, vector<16xi32>,
        %add3A_653 = arith.constant 192 : i32
        %add3A_654 = vector.broadcast %add3A_653 : i32 to vector<16xi32>
        %add3A_655 = arith.addi %iota3A, %add3A_654 : vector<16xi32>
        tpu.vector_store_idx %arg10[%min3A_650, %add3A_655], %broadcast_in_dim3A_401 : memref<65x256xf32, #tpu.memory_space<vmem>>[vector<16xi32>, vector<16xi32>], vector<16xf32>,
        %get3A_656 = arith.constant 208 : index
        %get3A_657 = tpu.vector_load %arg8[%get3A_656] {strides = array<i32>} : memref<256xf32, #tpu.memory_space<vmem>>, vector<16xf32>,
        %sub3A_658 = arith.subf %get3A_657, %min3A_381 : vector<16xf32>
        %mul3A_659 = arith.mulf %sub3A_658, %div3A_397 : vector<16xf32>
        %convert_element_type3A_660 = arith.fptosi %mul3A_659 : vector<16xf32> to vector<16xi32>
        %add3A_661 = arith.constant 1 : i32
        %add3A_662 = vector.broadcast %add3A_661 : i32 to vector<16xi32>
        %add3A_663 = arith.addi %convert_element_type3A_660, %add3A_662 : vector<16xi32>
        %min3A_664 = arith.constant 64 : i32
        %min3A_665 = vector.broadcast %min3A_664 : i32 to vector<16xi32>
        %min3A_666 = arith.minsi %add3A_663, %min3A_665 : vector<16xi32>
        %swap3A_667 = arith.constant 208 : index
        %swap3A_668 = tpu.vector_load %arg12[%swap3A_667] {strides = array<i32>} : memref<256xi32, #tpu.memory_space<vmem>>, vector<16xi32>,
        tpu.vector_store %arg12[%swap3A_667], %min3A_666 {strides = array<i32>} : memref<256xi32, #tpu.memory_space<vmem>>, vector<16xi32>,
        %add3A_669 = arith.constant 208 : i32
        %add3A_670 = vector.broadcast %add3A_669 : i32 to vector<16xi32>
        %add3A_671 = arith.addi %iota3A, %add3A_670 : vector<16xi32>
        tpu.vector_store_idx %arg10[%min3A_666, %add3A_671], %broadcast_in_dim3A_401 : memref<65x256xf32, #tpu.memory_space<vmem>>[vector<16xi32>, vector<16xi32>], vector<16xf32>,
        %get3A_672 = arith.constant 224 : index
        %get3A_673 = tpu.vector_load %arg8[%get3A_672] {strides = array<i32>} : memref<256xf32, #tpu.memory_space<vmem>>, vector<16xf32>,
        %sub3A_674 = arith.subf %get3A_673, %min3A_381 : vector<16xf32>
        %mul3A_675 = arith.mulf %sub3A_674, %div3A_397 : vector<16xf32>
        %convert_element_type3A_676 = arith.fptosi %mul3A_675 : vector<16xf32> to vector<16xi32>
        %add3A_677 = arith.constant 1 : i32
        %add3A_678 = vector.broadcast %add3A_677 : i32 to vector<16xi32>
        %add3A_679 = arith.addi %convert_element_type3A_676, %add3A_678 : vector<16xi32>
        %min3A_680 = arith.constant 64 : i32
        %min3A_681 = vector.broadcast %min3A_680 : i32 to vector<16xi32>
        %min3A_682 = arith.minsi %add3A_679, %min3A_681 : vector<16xi32>
        %swap3A_683 = arith.constant 224 : index
        %swap3A_684 = tpu.vector_load %arg12[%swap3A_683] {strides = array<i32>} : memref<256xi32, #tpu.memory_space<vmem>>, vector<16xi32>,
        tpu.vector_store %arg12[%swap3A_683], %min3A_682 {strides = array<i32>} : memref<256xi32, #tpu.memory_space<vmem>>, vector<16xi32>,
        %add3A_685 = arith.constant 224 : i32
        %add3A_686 = vector.broadcast %add3A_685 : i32 to vector<16xi32>
        %add3A_687 = arith.addi %iota3A, %add3A_686 : vector<16xi32>
        tpu.vector_store_idx %arg10[%min3A_682, %add3A_687], %broadcast_in_dim3A_401 : memref<65x256xf32, #tpu.memory_space<vmem>>[vector<16xi32>, vector<16xi32>], vector<16xf32>,
        %get3A_688 = arith.constant 240 : index
        %get3A_689 = tpu.vector_load %arg8[%get3A_688] {strides = array<i32>} : memref<256xf32, #tpu.memory_space<vmem>>, vector<16xf32>,
        %sub3A_690 = arith.subf %get3A_689, %min3A_381 : vector<16xf32>
        %mul3A_691 = arith.mulf %sub3A_690, %div3A_397 : vector<16xf32>
        %convert_element_type3A_692 = arith.fptosi %mul3A_691 : vector<16xf32> to vector<16xi32>
        %add3A_693 = arith.constant 1 : i32
        %add3A_694 = vector.broadcast %add3A_693 : i32 to vector<16xi32>
        %add3A_695 = arith.addi %convert_element_type3A_692, %add3A_694 : vector<16xi32>
        %min3A_696 = arith.constant 64 : i32
        %min3A_697 = vector.broadcast %min3A_696 : i32 to vector<16xi32>
        %min3A_698 = arith.minsi %add3A_695, %min3A_697 : vector<16xi32>
        %swap3A_699 = arith.constant 240 : index
        %swap3A_700 = tpu.vector_load %arg12[%swap3A_699] {strides = array<i32>} : memref<256xi32, #tpu.memory_space<vmem>>, vector<16xi32>,
        tpu.vector_store %arg12[%swap3A_699], %min3A_698 {strides = array<i32>} : memref<256xi32, #tpu.memory_space<vmem>>, vector<16xi32>,
        %add3A_701 = arith.constant 240 : i32
        %add3A_702 = vector.broadcast %add3A_701 : i32 to vector<16xi32>
        %add3A_703 = arith.addi %iota3A, %add3A_702 : vector<16xi32>
        tpu.vector_store_idx %arg10[%min3A_698, %add3A_703], %broadcast_in_dim3A_401 : memref<65x256xf32, #tpu.memory_space<vmem>>[vector<16xi32>, vector<16xi32>], vector<16xf32>,
        %add3A_704 = arith.constant 2 : i32
        %add3A_705 = arith.addi %scan3A_429, %add3A_704 : i32
        %lt3A_706 = arith.constant 64 : i32
        %lt3A_707 = arith.cmpi slt, %add3A_705, %lt3A_706 : i32
        %convert_element_type3A_708 = arith.extui %lt3A_707 : i1 to i32
        %cond3A_709 = arith.constant 0 : i32
        %cond3A_710 = arith.cmpi ne, %convert_element_type3A_708, %cond3A_709 : i32
        scf.if %cond3A_710 {
          %add3A_718 = arith.constant 2 : i32
          %add3A_719 = arith.addi %scan3A_429, %add3A_718 : i32
          %mul3A_720 = arith.constant 256 : i32
          %mul3A_721 = arith.muli %add3A_719, %mul3A_720 : i32
          %add3A_722 = arith.addi %mul3A_399, %mul3A_721 : i32
          %dma_start3A_723 = tpu.memref_slice %arg2[%add3A_722] : memref<524288xf32, #tpu.memory_space<hbm>> -> memref<256xf32, #tpu.memory_space<hbm>>
          %dma_start3A_724 = tpu.memref_slice %arg2[%add3A_722] : memref<524288xf32, #tpu.memory_space<hbm>> -> memref<256xf32, #tpu.memory_space<hbm>>
          tpu.enqueue_dma source(%dma_start3A_724 : memref<256xf32, #tpu.memory_space<hbm>>) target(%arg8 : memref<256xf32, #tpu.memory_space<vmem>>) target_semaphore(%arg17 : memref<!tpu.dma_semaphore, #tpu.memory_space<semaphore_mem>>)
        } else {
        }
        %mul3A_711 = arith.constant 256 : i32
        %mul3A_712 = arith.muli %scan3A_429, %mul3A_711 : i32
        %add3A_713 = arith.addi %mul3A_399, %mul3A_712 : i32
        %dma_start3A_714 = arith.constant 0 : i32
        %dma_start3A_715 = tpu.memref_slice %arg4[%dma_start3A_714, %add3A_713] : memref<65x524288xf32, #tpu.memory_space<hbm>> -> memref<65x256xf32, #tpu.memory_space<hbm>>
        %dma_start3A_716 = arith.constant 0 : i32
        %dma_start3A_717 = tpu.memref_slice %arg4[%dma_start3A_716, %add3A_713] : memref<65x524288xf32, #tpu.memory_space<hbm>> -> memref<65x256xf32, #tpu.memory_space<hbm>>
        tpu.enqueue_dma source(%arg10 : memref<65x256xf32, #tpu.memory_space<vmem>>) target(%dma_start3A_717 : memref<65x256xf32, #tpu.memory_space<hbm>>) target_semaphore(%arg15 : memref<!tpu.dma_semaphore, #tpu.memory_space<semaphore_mem>>)
      } else {
      }
      %scan3A_439 = arith.constant 0 : i32
      scf.yield %scan3A_439 : i32
    }
    %scan3A_417 = arith.constant 64 : i32
    %dma_wait3A = arith.constant 0 : i32
    %dma_wait3A_418 = arith.constant 0 : i32
    %dma_wait3A_419 = tpu.memref_slice %arg4[%dma_wait3A, %dma_wait3A_418] : memref<65x524288xf32, #tpu.memory_space<hbm>> -> memref<65x256xf32, #tpu.memory_space<hbm>>
    %dma_wait3A_420 = arith.constant 0 : i32
    %dma_wait3A_421 = arith.constant 0 : i32
    %dma_wait3A_422 = tpu.memref_slice %arg4[%dma_wait3A_420, %dma_wait3A_421] : memref<65x524288xf32, #tpu.memory_space<hbm>> -> memref<65x256xf32, #tpu.memory_space<hbm>>
    tpu.wait_dma2 semaphore(%arg14 : memref<!tpu.dma_semaphore, #tpu.memory_space<semaphore_mem>>) src(%arg9 : memref<65x256xf32, #tpu.memory_space<vmem>>) dst(%dma_wait3A_422 : memref<65x256xf32, #tpu.memory_space<hbm>>)
    %dma_wait3A_423 = arith.constant 0 : i32
    %dma_wait3A_424 = arith.constant 0 : i32
    %dma_wait3A_425 = tpu.memref_slice %arg4[%dma_wait3A_423, %dma_wait3A_424] : memref<65x524288xf32, #tpu.memory_space<hbm>> -> memref<65x256xf32, #tpu.memory_space<hbm>>
    %dma_wait3A_426 = arith.constant 0 : i32
    %dma_wait3A_427 = arith.constant 0 : i32
    %dma_wait3A_428 = tpu.memref_slice %arg4[%dma_wait3A_426, %dma_wait3A_427] : memref<65x524288xf32, #tpu.memory_space<hbm>> -> memref<65x256xf32, #tpu.memory_space<hbm>>
    tpu.wait_dma2 semaphore(%arg15 : memref<!tpu.dma_semaphore, #tpu.memory_space<semaphore_mem>>) src(%arg10 : memref<65x256xf32, #tpu.memory_space<vmem>>) dst(%dma_wait3A_428 : memref<65x256xf32, #tpu.memory_space<hbm>>)
    return
  }
}

</mosaic_0001>

<sc_bundles>
// kernel: kernel.3.cloned.1.call-start
scs
__scs_entry_jumppad:
0x0: {  	(pc) =	sbr.rel $0x88, $3  }
0x1: {  	(tag) =	ssettag $0x0;
	lr =	simm.s32 $0x1  }
0x2: {  	[smem:$0x3FA0] =	sst lr;
	_ =	strace $0xD0000000  }
0x3: {  	_ = 	snop  }
0x4: {  	_ = 	snop  }
0x5: {  	_ = 	snop  }
0x6: {  	_ = 	snop  }
0x7: {  	_ = 	snop  }
__scs_overlays_trampoline_lowered:
0x8: {  	[smem:$0x3FAF] =	sst s0  }
0x9: {  	[smem:$0x3FB0] =	sst s1  }
0xa: {  	[smem:$0x3FB1] =	sst s2  }
0xb: {  	[smem:$0x3FB2] =	sst s3  }
0xc: {  	[smem:$0x3FB3] =	sst s4  }
0xd: {  	[smem:$0x3FB4] =	sst s5  }
0xe: {  	[smem:$0x3FB5] =	sst s6  }
0xf: {  	[smem:$0x3FB6] =	sst s7  }
0x10: {  	[smem:$0x3FB7] =	sst s8  }
0x11: {  	[smem:$0x3FB8] =	sst s9;
	s0 =	simm.s32 @!p0 $0x0  }
0x12: {  	s1 =	sld [smem:$0x3F9E];
	s0 =	simm.s32 @p0 $0x1  }
0x13: {  	[smem:$0x3FB9] =	sst s0;
	s0 =	simm.s32 @!p1 $0x0  }
0x14: {  	s2 =	sld [smem:$0x3F9D];
	s0 =	simm.s32 @p1 $0x1  }
0x15: {  	[smem:$0x3FBA] =	sst s0;
	s0 =	simm.s32 @!p2 $0x0  }
0x16: {  	s3 =	sld [smem:$0x3FDB];
	s0 =	simm.s32 @p2 $0x1  }
0x17: {  	s4 =	simm.s32 $0x1BF5;
	[smem:$0x3FBC] =	sst s0  }
0x18: {  	s0 =	sld [smem:$0x3F9F];
	_ =	swait.ge [sflag:s4], $0x0  }
0x19: {  	s7 =	sld [smem:$0x3FA0]  }
0x1a: {  	s8 =	sadd.s32 $0xFFFFE003, lr  }
0x1b: {  	s9 =	sadd.s32 $0xFFFFFEF7, lr;
	s5 =	simm.s32 $0xFFFFFFFF;
	p2 =	slt.u32 s8, $0xFFFFF086  }
0x1c: {  	p1 =	slt.u32 s9, $0xF7A;
	s5 =	simm.s32 @!p2 $0x0  }
0x1d: {  	s5 =	simm.s32 @p1 $0x1;
	p0 =	seq.s32 s7, s2  }
0x1e: {  	s7 =	smul.u32 @!p0 $0xF7A, s2;
	p2 =	seq.s32 @!p0 s5, $0x0  }
0x1f: {  	s9 =	smul.u32 $0xF7A, s1;
	s8 =	simm.s32 @!p0 $0x1BF5;
	p2 =	por !p2, p0  }
0x20: {  	[sflag:s8] =	ssyncset.s32 @!p0 $0xFFFFF086;
	s6 =	sadd.s32 @!p0 s3, s7;
	s7 =	simm.s32 @!p0 $0x108  }
0x21: {  	s3 =	sadd.s32 s3, s9;
	s6 =	sadd.s32 @!p0 $0x88, s6;
	s7 =	simm.s32 @p2 $0x1082  }
0x22: {  	[simem:s7], [sflag:s8] =	dma.local @!p0 [hbm:s6], $0xF7A  }
0x23: {  	s9 =	sor.u32 $0xD0000000, s2;
	s6 =	simm.s32 $0x108;
	_ =	swait.ge @!p0 [sflag:s8], $0x0  }
0x24: {  	s3 =	sadd.s32 $0x88, s3;
	s6 =	simm.s32 @!p1 $0x1082;
	[sflag:s4] =	ssyncset.s32 $0xFFFFF086  }
0x25: {  	[simem:s6], [sflag:s4] =	dma.local [hbm:s3], $0xF7A  }
0x26: {  	[smem:$0x3FA0] =	sst s1;
	(tag) =	ssettag s2;
	_ =	strace s9  }
0x27: {  	s1 =	sld [smem:$0x3FB0]  }
0x28: {  	s2 =	sld [smem:$0x3FB1]  }
0x29: {  	s4 =	sld [smem:$0x3FB3]  }
0x2a: {  	p0 =	seq.s32 s5, $0x0;
	s5 =	sld [smem:$0x3FB4]  }
0x2b: {  	s6 =	sld [smem:$0x3FB5]  }
0x2c: {  	s7 =	sld [smem:$0x3FB6]  }
0x2d: {  	s3 =	simm.s32 $0x108;
	s8 =	sld [smem:$0x3FB7]  }
0x2e: {  	s3 =	simm.s32 @!p0 $0x1082;
	s9 =	sld [smem:$0x3FB8]  }
0x2f: {  	lr =	sadd.s32 s0, s3;
	s0 =	sld [smem:$0x3FAF]  }
0x30: {  	s3 =	sld [smem:$0x3FB2]  }
0x31: {  	[smem:$0x3FBB] =	sst s10  }
0x32: {  	s10 =	sld [smem:$0x3FB9];
	_ =	sdelay $0x3  }
0x33: {  	p0 =	seq.s32 s10, $0x1;
	s10 =	sld [smem:$0x3FBB];
	_ =	sdelay $0x3  }
0x34: {  	[smem:$0x3FBB] =	sst s10  }
0x35: {  	s10 =	sld [smem:$0x3FBA];
	_ =	sdelay $0x3  }
0x36: {  	p1 =	seq.s32 s10, $0x1;
	s10 =	sld [smem:$0x3FBB];
	_ =	sdelay $0x3  }
0x37: {  	[smem:$0x3FBB] =	sst s10  }
0x38: {  	s10 =	sld [smem:$0x3FBC]  }
0x39: {  	_ = 	snop;
	(pc) =	sbr.ind lr, $3  }
0x3a: {  	_ = 	snop  }
0x3b: {  	_ = 	snop  }
0x3c: {  	p2 =	seq.s32 s10, $0x1;
	s10 =	sld [smem:$0x3FBB]  }
0x3d: {  	_ =	shalt  }
0x3e: {  	_ =	shalt  }
0x3f: {  	_ =	shalt  }
0x40: {  	_ =	shalt  }
0x41: {  	_ =	shalt  }
0x42: {  	_ =	shalt  }
0x43: {  	_ =	shalt  }
0x44: {  	_ =	shalt  }
0x45: {  	_ =	shalt  }
0x46: {  	_ =	shalt  }
0x47: {  	_ =	shalt  }
0x48: {  	_ =	shalt  }
0x49: {  	_ =	shalt  }
0x4a: {  	_ =	shalt  }
0x4b: {  	_ =	shalt  }
0x4c: {  	_ =	shalt  }
0x4d: {  	_ =	shalt  }
0x4e: {  	_ =	shalt  }
0x4f: {  	_ =	shalt  }
0x50: {  	_ =	shalt  }
0x51: {  	_ =	shalt  }
0x52: {  	_ =	shalt  }
0x53: {  	_ =	shalt  }
0x54: {  	_ =	shalt  }
0x55: {  	_ =	shalt  }
0x56: {  	_ =	shalt  }
0x57: {  	_ =	shalt  }
0x58: {  	_ =	shalt  }
0x59: {  	_ =	shalt  }
0x5a: {  	_ =	shalt  }
0x5b: {  	_ =	shalt  }
0x5c: {  	_ =	shalt  }
0x5d: {  	_ =	shalt  }
0x5e: {  	_ =	shalt  }
0x5f: {  	_ =	shalt  }
0x60: {  	_ =	shalt  }
0x61: {  	_ =	shalt  }
0x62: {  	_ =	shalt  }
0x63: {  	_ =	shalt  }
0x64: {  	_ =	shalt  }
0x65: {  	_ =	shalt  }
0x66: {  	_ =	shalt  }
0x67: {  	_ =	shalt  }
0x68: {  	_ =	shalt  }
0x69: {  	_ =	shalt  }
0x6a: {  	_ =	shalt  }
0x6b: {  	_ =	shalt  }
0x6c: {  	_ =	shalt  }
0x6d: {  	_ =	shalt  }
0x6e: {  	_ =	shalt  }
0x6f: {  	_ =	shalt  }
0x70: {  	_ =	shalt  }
0x71: {  	_ =	shalt  }
0x72: {  	_ =	shalt  }
0x73: {  	_ =	shalt  }
0x74: {  	_ =	shalt  }
0x75: {  	_ =	shalt  }
0x76: {  	_ =	shalt  }
0x77: {  	_ =	shalt  }
0x78: {  	_ =	shalt  }
0x79: {  	_ =	shalt  }
0x7a: {  	_ =	shalt  }
0x7b: {  	_ =	shalt  }
0x7c: {  	_ =	shalt  }
0x7d: {  	_ =	shalt  }
0x7e: {  	_ =	shalt  }
0x7f: {  	_ =	shalt  }
0x80: {  	_ =	shalt  }
0x81: {  	_ =	shalt  }
0x82: {  	_ =	shalt  }
0x83: {  	_ =	shalt  }
0x84: {  	_ =	shalt  }
0x85: {  	_ =	shalt  }
0x86: {  	_ =	shalt  }
0x87: {  	_ =	shalt  }
.Lfunc_end0:
.L_simem_size_0:
called_computation_lowered:
.L_overlay_start_0:
0x88: {  	s2 =	sld [smem:$0x3FD9]  }
0x89: {  	s3 =	sld [smem:$0x3FFE];
	_ =	sdelay $0x1  }
0x8a: {  	s1 =	srdreg.scid  }
0x8b: {  	s0 =	sand.u32 $0x1, s1  }
0x8c: {  	s17 =	sshll.u32 s0, $0xA;
	s2 =	sadd.s32 s3, s2  }
0x8d: {  	s2 =	sadd.s32 s2, s17  }
0x8e: {  	[smem:$0x3FC7] =	sst s2  }
0x8f: {  	_ = 	snop  }
0x90: {  	s2 =	sld [smem:$0x3FC9]  }
0x91: {  	s18 =	sld [smem:$0x3FD0];
	(tm) =	ssettm $0x1  }
0x92: {  	s4 =	sld [smem:$0x3FFB];
	_ =	sdelay $0x3  }
0x93: {  	_ =	strace s4  }
0x94: {  	s4 =	sld [smem:$0x3FFC];
	_ =	sdelay $0x3  }
0x95: {  	_ =	strace s4  }
0x96: {  	s4 =	sld [smem:$0x3FFD];
	_ =	sdelay $0x3  }
0x97: {  	_ =	strace s4  }
0x98: {  	_ =	strace $0x8FFFFFFF  }
0x99: {  	s19 =	sld [smem:$0x3FDB];
	_ =	sdelay $0x1  }
0x9a: {  	s5 =	simm.s32 $_scs_section_size  }
0x9b: {  	s6 =	simm.s32 $_size__tile_overlayer_lowered;
	s7 =	simm.s32 $_tile_overlayer_lowered  }
0x9c: {  	s22 =	simm.s32 $0x1BFF;
	s21 =	sshll.u32 s7, $0x1;
	s4 =	sadd.s32 s5, s19  }
0x9d: {  	s8 =	simm.s32 $0x0;
	s20 =	sshll.u32 s6, $0x1;
	s6 =	sadd.s32 s21, s4  }
0x9e: {  	[timem:s8], [sflag:s22] =	dma.local [hbm:s6], s20  }
0x9f: {  	_ =	swait.ge [sflag:s22], s20  }
0xa0: {  	s5 =	ssub.s32 $0x0, s20;
	[sflag:s22] =	ssyncset.done $0x0  }
0xa1: {  	[sflag:s22] =	ssyncadd.s32 s5;
	_ =	sdelay $0x1  }
0xa2: {  	s23 =	simm.s32 $0x1B8B  }
0xa3: {  	_ =	swait.ge [sflag:s23], $0x1  }
0xa4: {  	[sflag:s23] =	ssyncset.done $0x0  }
0xa5: {  	s25 =	simm.s32 $0x1B8E;
	s24 =	sld [smem:$0x3FFE];
	[sflag:s23] =	ssyncadd.s32 $0xFFFFFFFF  }
0xa6: {  	s26 =	simm.s32 $execute0_lowered;
	[smem:$0x3FD2] =	sst s25  }
0xa7: {  	s6 =	sshll.u32 s26, $0x1;
	_ =	strace $0x80000046;
	[dreg:$0x1] =	wrdreg $0xFFFFFFFF  }
0xa8: {  	s28 =	simm.s32 $_size_execute0_lowered;
	s4 =	sadd.s32 s4, s6;
	[dreg:$0x0] =	wrdreg $0x0  }
0xa9: {  	s6 =	sshll.u32 s28, $0x1;
	[dreg:$0x2] =	wrdreg s4  }
0xaa: {  	[dreg:$0x3] =	wrdreg s6  }
0xab: {  	[dreg:$0x4] =	wrdreg $0xC0  }
0xac: {  	_ =	task [dreg:s8], $0x5FFFF  }
0xad: {  	[dreg:$0x1] =	wrdreg $0xFFFFFFFF  }
0xae: {  	[dreg:$0x0] =	wrdreg $0x60  }
0xaf: {  	[dreg:$0x2] =	wrdreg s2  }
0xb0: {  	[dreg:$0x3] =	wrdreg s24  }
0xb1: {  	[dreg:$0x4] =	wrdreg s18  }
0xb2: {  	[dreg:$0x5] =	wrdreg $0x124000  }
0xb3: {  	[dreg:$0x6] =	wrdreg $0x9  }
0xb4: {  	_ =	task.clear_ibuf [dreg:s8], $0x7FFFF;
	_ =	strace $0x90000046  }
0xb5: {  	s29 =	simm.s32 $0x9;
	_ =	strace $0x80000048  }
0xb6: {  	_ =	swait.ge [sflag:s29], $0x1  }
0xb7: {  	[sflag:s29] =	ssyncadd.s32 $0xFFFFFFFF  }
0xb8: {  	_ =	strace $0x90000048  }
0xb9: {  	_ =	sfence  }
0xba: {  	s30 =	sld [smem:$0x0];
	_ =	sdelay $0x2  }
0xbb: {  	s31 =	sshll.u32 s1, $0xD;
	s1 =	sshrl.u32 s1, $0x2  }
0xbc: {  	s3 =	sand.u32 $0x4000, s31;
	s1 =	sadd.s32 s1, s30  }
0xbd: {  	s0 =	sor.u32 s3, s0;
	s1 =	sshll.u32 s1, $0x11  }
0xbe: {  	s0 =	sor.u32 s1, s0  }
0xbf: {  	s0 =	sadd.s32 $0x8F2B, s0  }
0xc0: {  	[sflag:s0] =	ssyncadd.remote.s32 $0x1  }
0xc1: {  	_ =	sfence.sel $0xFFFF  }
0xc2: {  	[dreg:$0x0] =	wrdreg $0xFFFFFFFF;
	(pc) =	sbr.abs _section_cstart, $3  }
0xc3: {  	[dreg:$0x1] =	wrdreg $0xFFFFFFFF  }
0xc4: {  	_ =	task.clear_ibuf [dreg:s8], $0x2FFFF;
	_ =	strace $0x9FFFFFFF  }
0xc5: {  	(tm) =	ssettm $0x7FFFFFFF  }
tec
execute0_lowered:
.L_overlay_start_1:
0x0: {  	(tag) =	ssettag $0x1  }
0x1: {  	s11 =	rddreg [dreg:$0x0]  }
0x2: {  	s4 =	rddreg [dreg:$0x1]  }
0x3: {  	s10 =	rddreg [dreg:$0x2]  }
0x4: {  	s1 =	rddreg [dreg:$0x3];
	s2 =	simm.s32 $0x0;
	v0 =	vimm.s32 $0xEFCDAB89;
	v2 =	vimm.s32 $0xDCFE98BA  }
0x5: {  	v1 =	vimm.f32 $6.300000000e+01;
	v3 =	vimm.s32 $0x54761032;
	v4 =	vimm.s32 $0xBA98FEDC;
	[smem:$0x7FF] =	sst s2  }
0x6: {  	s0 =	rddreg [dreg:$0x4];
	v5 =	vimm.s32 $0x32107654;
	v6 =	vimm.s32 $0xFEDCBA98;
	_ =	strace $0x80000047  }
0x7: {  	v0 =	vunpack.c.l.s4.s8 v0;
	(erf) = vrcp.f32 v1;
	v1 =	vimm.s32 $0x67452301  }
0x8: {  	v2 =	vunpack.c.l.s4.s8 v2;
	v3 =	vunpack.c.l.s4.s8 v3;
	v1 =	vunpack.c.l.s4.s8 v1  }
0x9: {  	s5 =	srdreg.scid;
	v4 =	vunpack.c.l.s4.s8 v4;
	v5 =	vunpack.c.l.s4.s8 v5;
	v0 =	vunpack.c.0.s8.s32 v0  }
0xa: {  	s3 =	stileid.u32;
	s16 =	simm.s32 $0x9000;
	s17 =	simm.s32 $0x9100;
	v2 =	vunpack.c.0.s8.s32 v2;
	v3 =	vunpack.c.0.s8.s32 v3;
	v1 =	vunpack.c.0.s8.s32 v1  }
0xb: {  	v7 =	vimm.s32 $0x76543210;
	s18 =	simm.s32 $0x2;
	s19 =	simm.s32 $0x4;
	s20 =	simm.s32 $0x800;
	v4 =	vunpack.c.0.s8.s32 v4;
	v5 =	vunpack.c.0.s8.s32 v5  }
0xc: {  	s21 =	simm.s32 $0x400000;
	s22 =	simm.s32 $0x1;
	s23 =	simm.s32 $0x3;
	v6 =	vunpack.c.l.s4.s8 v6;
	v0 =	vcombine.low v1, v0;
	v1 =	vcombine.low v3, v2  }
0xd: {  	v22 =	vimm.f32 $1.000000000e+00;
	s24 =	simm.s32 $0x0;
	s5 =	sand.u32 $0x1, s5;
	s12 =	sshll.u32 s3, $0xF;
	v2 =	vunpack.c.l.s4.s8 v7;
	v3 =	vcombine.low v5, v4  }
0xe: {  	s4 =	sadd.s32 $0x400, s4;
	s29 =	sshll.u32 s3, $0xC;
	s7 =	sshll.u32 s3, $0x8;
	v4 =	vunpack.c.0.s8.s32 v6;
	v0 =	vand.u32 $0xF, v0;
	v1 =	vand.u32 $0xF, v1  }
0xf: {  	s6 =	ssub.s32 $0x2, s5;
	s13 =	sshll.u32 s5, $0xE;
	s5 =	sadd.s32 s11, s29;
	v5 =	vunpack.c.0.s8.s32 v2;
	v2 =	vand.u32 $0xF, v3;
	v3 =	vlaneseq.u32  }
0x10: {  	s7 =	sadd.s32 s7, s1;
	s10 =	sadd.s32 s12, s10;
	s28 =	sshrl.u32 s6, $0x1;
	v4 =	vand.u32 $0xF, v4;
	v6 =	vor.u32 $0x10, v3;
	v7 =	vor.u32 $0x20, v3  }
.Ltmp0:
0x11: {  	s9 =	sor.u32 s13, s12;
	s10 =	sadd.s32 s13, s10;
	v8 =	vor.u32 $0x30, v3;
	v9 =	vor.u32 $0x40, v3;
	v10 =	vor.u32 $0x50, v3;
	(pc) =	sbr.rel .LBB2_1-.Ltmp0, $4  }
0x12: {  	s12 =	simm.s32 $0x5;
	s13 =	simm.s32 $0x8000;
	s30 =	sshrl.u32 s9, $0x3;
	v11 =	vor.u32 $0x60, v3;
	v12 =	vor.u32 $0x70, v3;
	v13 =	vor.u32 $0x400, v3  }
0x13: {  	s14 =	ssub.s32 s6, s28;
	s15 =	sor.u32 $0x200, s9;
	s6 =	sadd.s32 s11, s30;
	v14 =	vor.u32 $0x410, v3;
	v15 =	vor.u32 $0x420, v3;
	v16 =	vor.u32 $0x430, v3  }
0x14: {  	s9 =	smax.u32 s14, $0x1;
	s31 =	sshrl.u32 s15, $0x3;
	s14 =	simm.s32 $0x9200;
	v17 =	vor.u32 $0x440, v3;
	v18 =	vor.u32 $0x450, v3;
	v20 =	vor.u32 $0x460, v3  }
0x15: {  	s15 =	simm.s32 $0xDA00;
	s8 =	sadd.s32 $0x20, s6;
	s11 =	sadd.s32 s31, s11;
	v21 =	vor.u32 $0x470, v3;
	v4 =	vcombine.low v4, v5;
	v5 =	vimm.f32 $0.0e+00;
	v19 =	vpop (erf)  }
.LBB2_12:
0x16: {  	s24 =	sadd.s32 $0x1, s24  }
0x17: {  	_ =	swait.ge [sflag:s22], $0x4800;
	p0 =	sne.s32 s24, s9  }
.Ltmp1:
0x18: {  	[sflag:s22] =	ssyncset.done $0x0;
	(pc) =	sbr.rel @!p0 .LBB2_13-.Ltmp1, $4  }
0x19: {  	[sflag:s22] =	ssyncadd.s32 $0xFFFFB800  }
0x1a: {  	_ =	swait.ge [sflag:s18], $0x4800  }
0x1b: {  	[sflag:s18] =	ssyncset.done $0x0  }
0x1c: {  	[sflag:s18] =	ssyncadd.s32 $0xFFFFB800  }
.LBB2_1:
0x1d: {  	[tilespmem:s2], [sflag:$0x5] =	stream.linear.gather [hbm4b:s5+s2], $0x8000, $0x38;
	[tilespmem:$0x12420] =	vst v63  }
0x1e: {  	_ =	swait.ge [sflag:s12], $0x8000  }
0x1f: {  	[sflag:s12] =	ssyncset.done $0x0  }
0x20: {  	[sflag:s12] =	ssyncadd.s32 $0xFFFF8000  }
0x21: {  	s26 =	simm.s32 $0x40;
	v24 =	vld [tilespmem:$0x0]  }
0x22: {  	v25 =	vld [tilespmem:s26+$0xFFFFFFD0]  }
0x23: {  	v27 =	vld [tilespmem:s26+$0xFFFFFFE0]  }
0x24: {  	v28 =	vld [tilespmem:s26+$0xFFFFFFF0]  }
0x25: {  	v26 =	vld [tilespmem:s26+$0x0]  }
0x26: {  	v23 =	vld [tilespmem:s26+$0x10]  }
0x27: {  	v29 =	vmin.f32 v24, v25;
	v25 =	vmax.f32 v24, v25;
	v24 =	vld [tilespmem:s26+$0x20]  }
0x28: {  	v29 =	vmin.f32 v29, v27;
	v27 =	vmax.f32 v25, v27;
	v25 =	vld [tilespmem:s26+$0x30]  }
0x29: {  	s25 =	simm.s32 $0x1;
	v29 =	vmin.f32 v29, v28;
	v28 =	vmax.f32 v27, v28;
	v27 =	vld [tilespmem:s26+$0x40];
	s26 =	simm.s32 $0xC0  }
.LBB2_2:
0x2a: {  	v30 =	vld [tilespmem:s26+$0xFFFFFFD0];
	s25 =	sadd.s32 $0x8, s25;
	v29 =	vmin.f32 v29, v26;
	v26 =	vmax.f32 v28, v26  }
0x2b: {  	v28 =	vld [tilespmem:s26+$0xFFFFFFE0];
	p0 =	slt.u32 s25, $0x7F1;
	v29 =	vmin.f32 v29, v23;
	v23 =	vmax.f32 v26, v23  }
0x2c: {  	v31 =	vld [tilespmem:s26+$0xFFFFFFF0];
	v29 =	vmin.f32 v29, v24;
	v23 =	vmax.f32 v23, v24  }
.Ltmp2:
0x2d: {  	v26 =	vld [tilespmem:s26+$0x0];
	v24 =	vmin.f32 v29, v25;
	v25 =	vmax.f32 v23, v25;
	(pc) =	sbr.rel @p0 .LBB2_2-.Ltmp2, $4  }
0x2e: {  	v23 =	vld [tilespmem:s26+$0x10];
	v24 =	vmin.f32 v24, v27;
	v25 =	vmax.f32 v25, v27  }
0x2f: {  	v27 =	vmin.f32 v24, v30;
	v25 =	vmax.f32 v25, v30;
	v24 =	vld [tilespmem:s26+$0x20]  }
0x30: {  	v27 =	vmin.f32 v27, v28;
	v28 =	vmax.f32 v25, v28;
	v25 =	vld [tilespmem:s26+$0x30]  }
0x31: {  	v29 =	vmin.f32 v27, v31;
	v28 =	vmax.f32 v28, v31;
	v27 =	vld [tilespmem:s26+$0x40];
	s26 =	sadd.s32 $0x80, s26  }
0x32: {  	v29 =	vmin.f32 v29, v26;
	v30 =	vld [tilespmem:$0x7F90]  }
0x33: {  	v26 =	vmax.f32 v28, v26;
	v51 =	vld [tilespmem:$0x7FA0];
	v50 =	vmin.f32 v29, v23  }
0x34: {  	v52 =	vld [tilespmem:$0x7FB0];
	v23 =	vmax.f32 v26, v23;
	v26 =	vmin.f32 v50, v24  }
0x35: {  	v23 =	vmax.f32 v23, v24;
	v24 =	vmin.f32 v26, v25;
	v26 =	vld [tilespmem:$0x7FC0]  }
0x36: {  	v23 =	vmax.f32 v23, v25;
	v25 =	vld [tilespmem:$0x7FD0];
	v24 =	vmin.f32 v24, v27  }
0x37: {  	v23 =	vmax.f32 v23, v27;
	v27 =	vld [tilespmem:$0x7FE0];
	v24 =	vmin.f32 v24, v30  }
0x38: {  	v53 =	vld [tilespmem:$0x7FF0];
	v23 =	vmax.f32 v23, v30;
	v24 =	vmin.f32 v24, v51  }
0x39: {  	v23 =	vmax.f32 v23, v51;
	v24 =	vmin.f32 v24, v52  }
0x3a: {  	v23 =	vmax.f32 v23, v52;
	v24 =	vmin.f32 v24, v26  }
0x3b: {  	v23 =	vmax.f32 v23, v26;
	v24 =	vmin.f32 v24, v25  }
0x3c: {  	v23 =	vmax.f32 v23, v25;
	v24 =	vmin.f32 v24, v27  }
0x3d: {  	v23 =	vmax.f32 v23, v27;
	v24 =	vmin.f32 v24, v53  }
0x3e: {  	v23 =	vmax.f32 v23, v53;
	[tilespmem:$0x8000] =	vst v24  }
0x3f: {  	[tilespmem:$0x8080] =	vst v23  }
0x40: {  	[spmem:s7] =	stream.linear.scatter [tilespmem:s13], [sflag:$0x5], $0x100, $0x38;
	[tilespmem:$0x12420] =	vst v63  }
0x41: {  	_ =	swait.ge [sflag:s12], $0x100  }
0x42: {  	[sflag:s12] =	ssyncset.done $0x0  }
0x43: {  	[sflag:s12] =	ssyncadd.s32 $0xFFFFFF00  }
0x44: {  	[bflag:$0x0] =	sbarrier.arrive $0xFFFF  }
0x45: {  	[tilespmem:s13], [sflag:$0x5] =	stream.linear.gather [spmem:s1], $0x1000, $0x38;
	[tilespmem:$0x12420] =	vst v63  }
0x46: {  	_ =	swait.ge [sflag:s12], $0x1000  }
0x47: {  	[sflag:s12] =	ssyncset.done $0x0  }
0x48: {  	[sflag:s12] =	ssyncadd.s32 $0xFFFFF000  }
0x49: {  	v23 =	vld [tilespmem:$0x8000]  }
0x4a: {  	v24 =	vld [tilespmem:$0x8080]  }
0x4b: {  	v25 =	vld [tilespmem:$0x8100]  }
0x4c: {  	v26 =	vld [tilespmem:$0x8180]  }
0x4d: {  	v27 =	vld [tilespmem:$0x8200]  }
0x4e: {  	v54 =	vld [tilespmem:$0x8280]  }
0x4f: {  	v55 =	vld [tilespmem:$0x8300]  }
0x50: {  	v56 =	vld [tilespmem:$0x8380]  }
0x51: {  	v31 =	vld [tilespmem:$0x8400]  }
0x52: {  	v32 =	vld [tilespmem:$0x8480]  }
0x53: {  	v33 =	vld [tilespmem:$0x8500]  }
0x54: {  	v34 =	vld [tilespmem:$0x8580]  }
0x55: {  	v35 =	vld [tilespmem:$0x8600]  }
0x56: {  	v36 =	vld [tilespmem:$0x8680]  }
0x57: {  	v37 =	vld [tilespmem:$0x8700]  }
0x58: {  	v38 =	vld [tilespmem:$0x8780]  }
0x59: {  	v39 =	vld [tilespmem:$0x8800]  }
0x5a: {  	v40 =	vld [tilespmem:$0x8880]  }
0x5b: {  	v41 =	vld [tilespmem:$0x8900]  }
0x5c: {  	v42 =	vld [tilespmem:$0x8980]  }
0x5d: {  	v43 =	vld [tilespmem:$0x8A00]  }
0x5e: {  	v44 =	vld [tilespmem:$0x8A80]  }
0x5f: {  	v57 =	vld [tilespmem:$0x8C80];
	v23 =	vmin.f32 v23, v25;
	v24 =	vmax.f32 v24, v26  }
0x60: {  	v58 =	vld [tilespmem:$0x8D00];
	v23 =	vmin.f32 v23, v27;
	v24 =	vmax.f32 v24, v54  }
0x61: {  	v59 =	vld [tilespmem:$0x8D80];
	v23 =	vmin.f32 v23, v55;
	v24 =	vmax.f32 v24, v56  }
0x62: {  	v60 =	vld [tilespmem:$0x8E00];
	v23 =	vmin.f32 v23, v31;
	v24 =	vmax.f32 v24, v32  }
0x63: {  	v25 =	vld [tilespmem:$0x8B00];
	v23 =	vmin.f32 v23, v33;
	v24 =	vmax.f32 v24, v34  }
0x64: {  	v26 =	vld [tilespmem:$0x8B80];
	v23 =	vmin.f32 v23, v35;
	v24 =	vmax.f32 v24, v36  }
0x65: {  	v27 =	vld [tilespmem:$0x8C00];
	v23 =	vmin.f32 v23, v37;
	v24 =	vmax.f32 v24, v38  }
0x66: {  	v61 =	vld [tilespmem:$0x8E80];
	v23 =	vmin.f32 v23, v39;
	v24 =	vmax.f32 v24, v40  }
0x67: {  	v62 =	vld [tilespmem:$0x8F00];
	v23 =	vmin.f32 v23, v41;
	v24 =	vmax.f32 v24, v42  }
0x68: {  	v63 =	vld [tilespmem:$0x8F80];
	v23 =	vmin.f32 v23, v43;
	v24 =	vmax.f32 v24, v44  }
0x69: {  	v23 =	vmin.f32 v23, v25;
	v24 =	vmax.f32 v24, v26  }
0x6a: {  	v23 =	vmin.f32 v23, v27;
	v24 =	vmax.f32 v24, v57  }
0x6b: {  	v23 =	vmin.f32 v23, v58;
	v24 =	vmax.f32 v24, v59  }
0x6c: {  	v23 =	vmin.f32 v23, v60;
	v24 =	vmax.f32 v24, v61  }
0x6d: {  	v23 =	vmin.f32 v23, v62;
	v24 =	vmax.f32 v24, v63  }
0x6e: {  	v25 =	vperm.xlane v23, v0;
	v26 =	vperm.xlane v24, v0;
	_ =	sdelay $0x1  }
0x6f: {  	v23 =	vmin.f32 v23, v25;
	v24 =	vmax.f32 v24, v26  }
0x70: {  	v25 =	vperm.xlane v23, v1;
	v26 =	vperm.xlane v24, v1;
	_ =	sdelay $0x1  }
0x71: {  	v23 =	vmin.f32 v23, v25;
	v24 =	vmax.f32 v24, v26  }
0x72: {  	v25 =	vperm.xlane v23, v2;
	v26 =	vperm.xlane v24, v2;
	_ =	sdelay $0x1  }
0x73: {  	v23 =	vmin.f32 v23, v25;
	v24 =	vmax.f32 v24, v26  }
0x74: {  	v25 =	vperm.xlane v23, v4;
	v26 =	vperm.xlane v24, v4;
	_ =	sdelay $0x1  }
0x75: {  	v23 =	vmin.f32 v23, v25;
	v24 =	vmax.f32 v24, v26  }
0x76: {  	v24 =	vsub.f32 v24, v23;
	_ =	sdelay $0x1  }
0x77: {  	v24 =	vmul.f32 v24, v19;
	_ =	sdelay $0x1  }
0x78: {  	(erf) = vrcp.f32 v24;
	_ =	sdelay $0x7  }
0x79: {  	s25 =	simm.s32 $0x0  }
0x7a: {  	[tilespmem:s14], [sflag:$0x5] =	stream.linear.gather [hbm4b:s4+s25], $0x4800, $0x38;
	v24 =	vpop (erf);
	[tilespmem:$0x12420] =	vst v63  }
0x7b: {  	_ =	swait.ge [sflag:s12], $0x4800  }
0x7c: {  	[sflag:s12] =	ssyncset.done $0x0  }
0x7d: {  	[sflag:s12] =	ssyncadd.s32 $0xFFFFB800  }
0x7e: {  	[tilespmem:s15], [sflag:$0x5] =	stream.linear.gather [hbm4b:s4+s25], $0x4800, $0x38;
	[tilespmem:$0x12420] =	vst v63  }
0x7f: {  	_ =	swait.ge [sflag:s12], $0x4800  }
.Ltmp3:
0x80: {  	[sflag:s12] =	ssyncset.done $0x0;
	(pc) =	sbr.rel .LBB2_4-.Ltmp3, $4  }
0x81: {  	[sflag:s12] =	ssyncadd.s32 $0xFFFFB800  }
0x82: {  	[tilespmem:s16], [sflag:$0x3] =	stream.linear.gather [hbm4b:s6+s25], $0x100, $0x38;
	[tilespmem:$0x12420] =	vst v63  }
0x83: {  	s26 =	smov.u32 s11;
	s28 =	smov.u32 s10  }
0x84: {  	[tilespmem:s17], [sflag:$0x4] =	stream.linear.gather [hbm4b:s8+s25], $0x100, $0x38;
	[tilespmem:$0x12420] =	vst v63  }
.LBB2_10:
0x85: {  	_ =	swait.ge [sflag:s19], $0x100  }
0x86: {  	[sflag:s19] =	ssyncset.done $0x0  }
0x87: {  	[sflag:s19] =	ssyncadd.s32 $0xFFFFFF00  }
0x88: {  	v25 =	vld [tilespmem:$0x9100];
	_ =	sdelay $0x4  }
0x89: {  	v25 =	vsub.f32 v25, v23;
	_ =	sdelay $0x1  }
0x8a: {  	v25 =	vmul.f32 v25, v24;
	_ =	sdelay $0x1  }
0x8b: {  	v25 =	vtrunc.f32 v25  }
0x8c: {  	v25 =	vcvt.f32.s32 v25;
	_ =	sdelay $0x1  }
0x8d: {  	v25 =	vadd.s32 $0x1, v25  }
0x8e: {  	vm0 =	vlt.s32 v25, $0x40  }
0x8f: {  	v25 =	vnsel vm0, $0x40, v25  }
0x90: {  	v26 =	vshll.u32 v25, $0x8;
	v27 =	vshll.u32 v25, $0x7  }
0x91: {  	v26 =	vand.u32 $0xFFFFF800, v26;
	v27 =	vand.u32 $0x380, v27  }
0x92: {  	v26 =	vor.u32 v26, v27  }
0x93: {  	v26 =	vor.u32 v3, v26;
	_ =	sdelay $0x3  }
0x94: {  	[tilespmem:$0x12300] =	vst v25  }
0x95: {  	[tilespmem:v26+s15+$0x0] =	vst.idx.msk $0xffff, v22  }
0x96: {  	v25 =	vld [tilespmem:$0x9110];
	_ =	sdelay $0x4  }
0x97: {  	v25 =	vsub.f32 v25, v23;
	_ =	sdelay $0x1  }
0x98: {  	v25 =	vmul.f32 v25, v24;
	_ =	sdelay $0x1  }
0x99: {  	v25 =	vtrunc.f32 v25  }
0x9a: {  	v25 =	vcvt.f32.s32 v25;
	_ =	sdelay $0x1  }
0x9b: {  	v25 =	vadd.s32 $0x1, v25  }
0x9c: {  	vm13 =	vlt.s32 v25, $0x40  }
0x9d: {  	v25 =	vnsel vm13, $0x40, v25  }
0x9e: {  	v26 =	vshll.u32 v25, $0x8;
	v27 =	vshll.u32 v25, $0x7  }
0x9f: {  	v26 =	vand.u32 $0xFFFFF800, v26;
	v27 =	vand.u32 $0x380, v27  }
0xa0: {  	v26 =	vor.u32 v26, v27  }
0xa1: {  	v26 =	vor.u32 v6, v26;
	_ =	sdelay $0x3  }
0xa2: {  	[tilespmem:$0x12310] =	vst v25  }
0xa3: {  	[tilespmem:v26+s15+$0x0] =	vst.idx.msk $0xffff, v22  }
0xa4: {  	v25 =	vld [tilespmem:$0x9120];
	_ =	sdelay $0x4  }
0xa5: {  	v25 =	vsub.f32 v25, v23;
	_ =	sdelay $0x1  }
0xa6: {  	v25 =	vmul.f32 v25, v24;
	_ =	sdelay $0x1  }
0xa7: {  	v25 =	vtrunc.f32 v25  }
0xa8: {  	v25 =	vcvt.f32.s32 v25;
	_ =	sdelay $0x1  }
0xa9: {  	v25 =	vadd.s32 $0x1, v25  }
0xaa: {  	vm14 =	vlt.s32 v25, $0x40  }
0xab: {  	v25 =	vnsel vm14, $0x40, v25  }
0xac: {  	v26 =	vshll.u32 v25, $0x8;
	v27 =	vshll.u32 v25, $0x7  }
0xad: {  	v26 =	vand.u32 $0xFFFFF800, v26;
	v27 =	vand.u32 $0x380, v27  }
0xae: {  	v26 =	vor.u32 v26, v27  }
0xaf: {  	v26 =	vor.u32 v7, v26;
	_ =	sdelay $0x3  }
0xb0: {  	[tilespmem:$0x12320] =	vst v25  }
0xb1: {  	[tilespmem:v26+s15+$0x0] =	vst.idx.msk $0xffff, v22  }
0xb2: {  	v25 =	vld [tilespmem:$0x9130];
	_ =	sdelay $0x4  }
0xb3: {  	v25 =	vsub.f32 v25, v23;
	_ =	sdelay $0x1  }
0xb4: {  	v25 =	vmul.f32 v25, v24;
	_ =	sdelay $0x1  }
0xb5: {  	v25 =	vtrunc.f32 v25  }
0xb6: {  	v25 =	vcvt.f32.s32 v25;
	_ =	sdelay $0x1  }
0xb7: {  	v25 =	vadd.s32 $0x1, v25  }
0xb8: {  	vm15 =	vlt.s32 v25, $0x40  }
0xb9: {  	v25 =	vnsel vm15, $0x40, v25  }
0xba: {  	v26 =	vshll.u32 v25, $0x8;
	v27 =	vshll.u32 v25, $0x7  }
0xbb: {  	v26 =	vand.u32 $0xFFFFF800, v26;
	v27 =	vand.u32 $0x380, v27  }
0xbc: {  	v26 =	vor.u32 v26, v27  }
0xbd: {  	v26 =	vor.u32 v8, v26;
	_ =	sdelay $0x3  }
0xbe: {  	[tilespmem:$0x12330] =	vst v25  }
0xbf: {  	[tilespmem:v26+s15+$0x0] =	vst.idx.msk $0xffff, v22  }
0xc0: {  	v25 =	vld [tilespmem:$0x9140];
	_ =	sdelay $0x4  }
0xc1: {  	v25 =	vsub.f32 v25, v23;
	_ =	sdelay $0x1  }
0xc2: {  	v25 =	vmul.f32 v25, v24;
	_ =	sdelay $0x1  }
0xc3: {  	v25 =	vtrunc.f32 v25  }
0xc4: {  	v25 =	vcvt.f32.s32 v25;
	_ =	sdelay $0x1  }
0xc5: {  	v25 =	vadd.s32 $0x1, v25  }
0xc6: {  	vm4 =	vlt.s32 v25, $0x40  }
0xc7: {  	v25 =	vnsel vm4, $0x40, v25  }
0xc8: {  	v26 =	vshll.u32 v25, $0x8;
	v27 =	vshll.u32 v25, $0x7  }
0xc9: {  	v26 =	vand.u32 $0xFFFFF800, v26;
	v27 =	vand.u32 $0x380, v27  }
0xca: {  	v26 =	vor.u32 v26, v27  }
0xcb: {  	v26 =	vor.u32 v9, v26;
	_ =	sdelay $0x3  }
0xcc: {  	[tilespmem:$0x12340] =	vst v25  }
0xcd: {  	[tilespmem:v26+s15+$0x0] =	vst.idx.msk $0xffff, v22  }
0xce: {  	v25 =	vld [tilespmem:$0x9150];
	_ =	sdelay $0x4  }
0xcf: {  	v25 =	vsub.f32 v25, v23;
	_ =	sdelay $0x1  }
0xd0: {  	v25 =	vmul.f32 v25, v24;
	_ =	sdelay $0x1  }
0xd1: {  	v25 =	vtrunc.f32 v25  }
0xd2: {  	v25 =	vcvt.f32.s32 v25;
	_ =	sdelay $0x1  }
0xd3: {  	v25 =	vadd.s32 $0x1, v25  }
0xd4: {  	vm5 =	vlt.s32 v25, $0x40  }
0xd5: {  	v25 =	vnsel vm5, $0x40, v25  }
0xd6: {  	v26 =	vshll.u32 v25, $0x8;
	v27 =	vshll.u32 v25, $0x7  }
0xd7: {  	v26 =	vand.u32 $0xFFFFF800, v26;
	v27 =	vand.u32 $0x380, v27  }
0xd8: {  	v26 =	vor.u32 v26, v27  }
0xd9: {  	v26 =	vor.u32 v10, v26;
	_ =	sdelay $0x3  }
0xda: {  	[tilespmem:$0x12350] =	vst v25  }
0xdb: {  	[tilespmem:v26+s15+$0x0] =	vst.idx.msk $0xffff, v22  }
0xdc: {  	v25 =	vld [tilespmem:$0x9160];
	_ =	sdelay $0x4  }
0xdd: {  	v25 =	vsub.f32 v25, v23;
	_ =	sdelay $0x1  }
0xde: {  	v25 =	vmul.f32 v25, v24;
	_ =	sdelay $0x1  }
0xdf: {  	v25 =	vtrunc.f32 v25  }
0xe0: {  	v25 =	vcvt.f32.s32 v25;
	_ =	sdelay $0x1  }
0xe1: {  	v25 =	vadd.s32 $0x1, v25  }
0xe2: {  	vm6 =	vlt.s32 v25, $0x40  }
0xe3: {  	v25 =	vnsel vm6, $0x40, v25  }
0xe4: {  	v26 =	vshll.u32 v25, $0x8;
	v27 =	vshll.u32 v25, $0x7  }
0xe5: {  	v26 =	vand.u32 $0xFFFFF800, v26;
	v27 =	vand.u32 $0x380, v27  }
0xe6: {  	v26 =	vor.u32 v26, v27  }
0xe7: {  	v26 =	vor.u32 v11, v26;
	_ =	sdelay $0x3  }
0xe8: {  	[tilespmem:$0x12360] =	vst v25  }
0xe9: {  	[tilespmem:v26+s15+$0x0] =	vst.idx.msk $0xffff, v22  }
0xea: {  	v25 =	vld [tilespmem:$0x9170];
	_ =	sdelay $0x4  }
0xeb: {  	v25 =	vsub.f32 v25, v23;
	_ =	sdelay $0x1  }
0xec: {  	v25 =	vmul.f32 v25, v24;
	_ =	sdelay $0x1  }
0xed: {  	v25 =	vtrunc.f32 v25  }
0xee: {  	v25 =	vcvt.f32.s32 v25;
	_ =	sdelay $0x1  }
0xef: {  	v25 =	vadd.s32 $0x1, v25  }
0xf0: {  	vm7 =	vlt.s32 v25, $0x40  }
0xf1: {  	v25 =	vnsel vm7, $0x40, v25  }
0xf2: {  	v26 =	vshll.u32 v25, $0x8;
	v27 =	vshll.u32 v25, $0x7  }
0xf3: {  	v26 =	vand.u32 $0xFFFFF800, v26;
	v27 =	vand.u32 $0x380, v27  }
0xf4: {  	v26 =	vor.u32 v26, v27  }
0xf5: {  	v26 =	vor.u32 v12, v26;
	_ =	sdelay $0x3  }
0xf6: {  	[tilespmem:$0x12370] =	vst v25  }
0xf7: {  	[tilespmem:v26+s15+$0x0] =	vst.idx.msk $0xffff, v22  }
0xf8: {  	v25 =	vld [tilespmem:$0x9180];
	_ =	sdelay $0x4  }
0xf9: {  	v25 =	vsub.f32 v25, v23;
	_ =	sdelay $0x1  }
0xfa: {  	v25 =	vmul.f32 v25, v24;
	_ =	sdelay $0x1  }
0xfb: {  	v25 =	vtrunc.f32 v25  }
0xfc: {  	v25 =	vcvt.f32.s32 v25;
	_ =	sdelay $0x1  }
0xfd: {  	v25 =	vadd.s32 $0x1, v25  }
0xfe: {  	vm8 =	vlt.s32 v25, $0x40  }
0xff: {  	v25 =	vnsel vm8, $0x40, v25  }
0x100: {  	v26 =	vshll.u32 v25, $0x8;
	v27 =	vshll.u32 v25, $0x7  }
0x101: {  	v26 =	vand.u32 $0xFFFFF800, v26;
	v27 =	vand.u32 $0x380, v27  }
0x102: {  	v26 =	vor.u32 v27, v26  }
0x103: {  	v26 =	vor.u32 v13, v26;
	_ =	sdelay $0x3  }
0x104: {  	[tilespmem:$0x12380] =	vst v25  }
0x105: {  	[tilespmem:v26+s15+$0x0] =	vst.idx.msk $0xffff, v22  }
0x106: {  	v25 =	vld [tilespmem:$0x9190];
	_ =	sdelay $0x4  }
0x107: {  	v25 =	vsub.f32 v25, v23;
	_ =	sdelay $0x1  }
0x108: {  	v25 =	vmul.f32 v25, v24;
	_ =	sdelay $0x1  }
0x109: {  	v25 =	vtrunc.f32 v25  }
0x10a: {  	v25 =	vcvt.f32.s32 v25;
	_ =	sdelay $0x1  }
0x10b: {  	v25 =	vadd.s32 $0x1, v25  }
0x10c: {  	vm9 =	vlt.s32 v25, $0x40  }
0x10d: {  	v25 =	vnsel vm9, $0x40, v25  }
0x10e: {  	v26 =	vshll.u32 v25, $0x8;
	v27 =	vshll.u32 v25, $0x7  }
0x10f: {  	v26 =	vand.u32 $0xFFFFF800, v26;
	v27 =	vand.u32 $0x380, v27  }
0x110: {  	v26 =	vor.u32 v27, v26  }
0x111: {  	v26 =	vor.u32 v14, v26;
	_ =	sdelay $0x3  }
0x112: {  	[tilespmem:$0x12390] =	vst v25  }
0x113: {  	[tilespmem:v26+s15+$0x0] =	vst.idx.msk $0xffff, v22  }
0x114: {  	v25 =	vld [tilespmem:$0x91A0];
	_ =	sdelay $0x4  }
0x115: {  	v25 =	vsub.f32 v25, v23;
	_ =	sdelay $0x1  }
0x116: {  	v25 =	vmul.f32 v25, v24;
	_ =	sdelay $0x1  }
0x117: {  	v25 =	vtrunc.f32 v25  }
0x118: {  	v25 =	vcvt.f32.s32 v25;
	_ =	sdelay $0x1  }
0x119: {  	v25 =	vadd.s32 $0x1, v25  }
0x11a: {  	vm10 =	vlt.s32 v25, $0x40  }
0x11b: {  	v25 =	vnsel vm10, $0x40, v25  }
0x11c: {  	v26 =	vshll.u32 v25, $0x8;
	v27 =	vshll.u32 v25, $0x7  }
0x11d: {  	v26 =	vand.u32 $0xFFFFF800, v26;
	v27 =	vand.u32 $0x380, v27  }
0x11e: {  	v26 =	vor.u32 v27, v26  }
0x11f: {  	v26 =	vor.u32 v15, v26;
	_ =	sdelay $0x3  }
0x120: {  	[tilespmem:$0x123A0] =	vst v25  }
0x121: {  	[tilespmem:v26+s15+$0x0] =	vst.idx.msk $0xffff, v22  }
0x122: {  	v25 =	vld [tilespmem:$0x91B0];
	_ =	sdelay $0x4  }
0x123: {  	v25 =	vsub.f32 v25, v23;
	_ =	sdelay $0x1  }
0x124: {  	v25 =	vmul.f32 v25, v24;
	_ =	sdelay $0x1  }
0x125: {  	v25 =	vtrunc.f32 v25  }
0x126: {  	v25 =	vcvt.f32.s32 v25;
	_ =	sdelay $0x1  }
0x127: {  	v25 =	vadd.s32 $0x1, v25  }
0x128: {  	vm11 =	vlt.s32 v25, $0x40  }
0x129: {  	v25 =	vnsel vm11, $0x40, v25  }
0x12a: {  	v26 =	vshll.u32 v25, $0x8;
	v27 =	vshll.u32 v25, $0x7  }
0x12b: {  	v26 =	vand.u32 $0xFFFFF800, v26;
	v27 =	vand.u32 $0x380, v27  }
0x12c: {  	v26 =	vor.u32 v27, v26  }
0x12d: {  	v26 =	vor.u32 v16, v26;
	_ =	sdelay $0x3  }
0x12e: {  	[tilespmem:$0x123B0] =	vst v25  }
0x12f: {  	[tilespmem:v26+s15+$0x0] =	vst.idx.msk $0xffff, v22  }
0x130: {  	v25 =	vld [tilespmem:$0x91C0];
	_ =	sdelay $0x4  }
0x131: {  	v25 =	vsub.f32 v25, v23;
	_ =	sdelay $0x1  }
0x132: {  	v25 =	vmul.f32 v25, v24;
	_ =	sdelay $0x1  }
0x133: {  	v25 =	vtrunc.f32 v25  }
0x134: {  	v25 =	vcvt.f32.s32 v25;
	_ =	sdelay $0x1  }
0x135: {  	v25 =	vadd.s32 $0x1, v25  }
0x136: {  	vm12 =	vlt.s32 v25, $0x40  }
0x137: {  	v25 =	vnsel vm12, $0x40, v25  }
0x138: {  	v26 =	vshll.u32 v25, $0x8;
	v27 =	vshll.u32 v25, $0x7  }
0x139: {  	v26 =	vand.u32 $0xFFFFF800, v26;
	v27 =	vand.u32 $0x380, v27  }
0x13a: {  	v26 =	vor.u32 v27, v26  }
0x13b: {  	v26 =	vor.u32 v17, v26;
	_ =	sdelay $0x3  }
0x13c: {  	[tilespmem:$0x123C0] =	vst v25  }
0x13d: {  	[tilespmem:v26+s15+$0x0] =	vst.idx.msk $0xffff, v22  }
0x13e: {  	v25 =	vld [tilespmem:$0x91D0];
	_ =	sdelay $0x4  }
0x13f: {  	v25 =	vsub.f32 v25, v23;
	_ =	sdelay $0x1  }
0x140: {  	v25 =	vmul.f32 v25, v24;
	_ =	sdelay $0x1  }
0x141: {  	v25 =	vtrunc.f32 v25  }
0x142: {  	v25 =	vcvt.f32.s32 v25;
	_ =	sdelay $0x1  }
0x143: {  	v25 =	vadd.s32 $0x1, v25  }
0x144: {  	vm13 =	vlt.s32 v25, $0x40  }
0x145: {  	v25 =	vnsel vm13, $0x40, v25  }
0x146: {  	v26 =	vshll.u32 v25, $0x8;
	v27 =	vshll.u32 v25, $0x7  }
0x147: {  	v26 =	vand.u32 $0xFFFFF800, v26;
	v27 =	vand.u32 $0x380, v27  }
0x148: {  	v26 =	vor.u32 v27, v26  }
0x149: {  	v26 =	vor.u32 v18, v26;
	_ =	sdelay $0x3  }
0x14a: {  	[tilespmem:$0x123D0] =	vst v25  }
0x14b: {  	[tilespmem:v26+s15+$0x0] =	vst.idx.msk $0xffff, v22  }
0x14c: {  	v25 =	vld [tilespmem:$0x91E0];
	_ =	sdelay $0x4  }
0x14d: {  	v25 =	vsub.f32 v25, v23;
	_ =	sdelay $0x1  }
0x14e: {  	v25 =	vmul.f32 v25, v24;
	_ =	sdelay $0x1  }
0x14f: {  	v25 =	vtrunc.f32 v25  }
0x150: {  	v25 =	vcvt.f32.s32 v25;
	_ =	sdelay $0x1  }
0x151: {  	v25 =	vadd.s32 $0x1, v25  }
0x152: {  	vm14 =	vlt.s32 v25, $0x40  }
0x153: {  	v25 =	vnsel vm14, $0x40, v25  }
0x154: {  	v26 =	vshll.u32 v25, $0x8;
	v27 =	vshll.u32 v25, $0x7  }
0x155: {  	v26 =	vand.u32 $0xFFFFF800, v26;
	v27 =	vand.u32 $0x380, v27  }
0x156: {  	v26 =	vor.u32 v27, v26  }
0x157: {  	v26 =	vor.u32 v20, v26;
	_ =	sdelay $0x3  }
0x158: {  	[tilespmem:$0x123E0] =	vst v25  }
0x159: {  	[tilespmem:v26+s15+$0x0] =	vst.idx.msk $0xffff, v22  }
0x15a: {  	v25 =	vld [tilespmem:$0x91F0];
	_ =	sdelay $0x4  }
0x15b: {  	v25 =	vsub.f32 v25, v23;
	_ =	sdelay $0x1  }
0x15c: {  	v25 =	vmul.f32 v25, v24;
	_ =	sdelay $0x1  }
0x15d: {  	v25 =	vtrunc.f32 v25  }
0x15e: {  	v25 =	vcvt.f32.s32 v25;
	_ =	sdelay $0x1  }
0x15f: {  	v25 =	vadd.s32 $0x1, v25  }
0x160: {  	vm15 =	vlt.s32 v25, $0x40  }
0x161: {  	v25 =	vnsel vm15, $0x40, v25  }
0x162: {  	v26 =	vshll.u32 v25, $0x8;
	v27 =	vshll.u32 v25, $0x7  }
0x163: {  	v26 =	vand.u32 $0xFFFFF800, v26;
	v27 =	vand.u32 $0x380, v27  }
0x164: {  	v26 =	vor.u32 v27, v26  }
0x165: {  	v26 =	vor.u32 v21, v26;
	_ =	sdelay $0x3  }
0x166: {  	p0 =	sgt.u32 s25, $0x3D;
	[tilespmem:$0x123F0] =	vst v25  }
0x167: {  	s29 =	simm.s32 @!p0 $0x0;
	s30 =	simm.s32 @!p0 $0x9100;
	[tilespmem:v26+s15+$0x0] =	vst.idx.msk $0xffff, v22  }
0x168: {  	[tilespmem:s30], [sflag:$0x4] =	stream.linear.gather @!p0 [hbm4b:s26+s29], $0x100, $0x38;
	[tilespmem:$0x12420] =	vst v63  }
0x169: {  	_ = 	snop  }
0x16a: {  	[hbm4b:s28+s20] =	stream.strided.scatter [tilespmem:s15], [sflag:$0x2], $0x4800, s21, s20, $0x38;
	[tilespmem:$0x12420] =	vst v63  }
.LBB2_11:
0x16b: {  	s25 =	sadd.s32 $0x1, s25  }
0x16c: {  	p0 =	sne.s32 s25, $0x40  }
.Ltmp4:
0x16d: {  	_ = 	snop;
	(pc) =	sbr.rel @!p0 .LBB2_12-.Ltmp4, $2  }
0x16e: {  	_ =	sdelay $0x2  }
0x16f: {  	s28 =	sadd.s32 $0x100, s28;
	s26 =	sadd.s32 $0x20, s26  }
.LBB2_4:
0x170: {  	s29 =	sand.u32 $0x1, s25  }
0x171: {  	p1 =	seq.s32 s29, $0x1  }
.Ltmp5:
0x172: {  	_ = 	snop;
	(pc) =	sbr.rel @!p1 .LBB2_5-.Ltmp5, $2  }
0x173: {  	_ =	sdelay $0x2  }
0x174: {  	p0 =	slt.u32 s25, $0x2  }
.Ltmp6:
0x175: {  	(pc) =	sbr.rel @p0 .LBB2_10-.Ltmp6, $1  }
0x176: {  	_ =	sdelay $0x3  }
0x177: {  	_ =	swait.ge [sflag:s18], $0x4800  }
0x178: {  	[sflag:s18] =	ssyncset.done $0x0  }
0x179: {  	[sflag:s18] =	ssyncadd.s32 $0xFFFFB800  }
0x17a: {  	v25 =	vld [tilespmem:$0x12300];
	_ =	sdelay $0x4  }
0x17b: {  	v26 =	vshll.u32 v25, $0x8;
	v25 =	vshll.u32 v25, $0x7  }
0x17c: {  	v26 =	vand.u32 $0xFFFFF800, v26;
	v25 =	vand.u32 $0x380, v25  }
0x17d: {  	v25 =	vor.u32 v26, v25  }
0x17e: {  	v25 =	vor.u32 v3, v25;
	_ =	sdelay $0x4  }
0x17f: {  	[tilespmem:v25+s15+$0x0] =	vst.idx.msk $0xffff, v5  }
0x180: {  	v25 =	vld [tilespmem:$0x12310];
	_ =	sdelay $0x4  }
0x181: {  	v26 =	vshll.u32 v25, $0x8;
	v25 =	vshll.u32 v25, $0x7  }
0x182: {  	v26 =	vand.u32 $0xFFFFF800, v26;
	v25 =	vand.u32 $0x380, v25  }
0x183: {  	v25 =	vor.u32 v26, v25  }
0x184: {  	v25 =	vor.u32 v6, v25;
	_ =	sdelay $0x4  }
0x185: {  	[tilespmem:v25+s15+$0x0] =	vst.idx.msk $0xffff, v5  }
0x186: {  	v25 =	vld [tilespmem:$0x12320];
	_ =	sdelay $0x4  }
0x187: {  	v26 =	vshll.u32 v25, $0x8;
	v25 =	vshll.u32 v25, $0x7  }
0x188: {  	v26 =	vand.u32 $0xFFFFF800, v26;
	v25 =	vand.u32 $0x380, v25  }
0x189: {  	v25 =	vor.u32 v26, v25  }
0x18a: {  	v25 =	vor.u32 v7, v25;
	_ =	sdelay $0x4  }
0x18b: {  	[tilespmem:v25+s15+$0x0] =	vst.idx.msk $0xffff, v5  }
0x18c: {  	v25 =	vld [tilespmem:$0x12330];
	_ =	sdelay $0x4  }
0x18d: {  	v26 =	vshll.u32 v25, $0x8;
	v25 =	vshll.u32 v25, $0x7  }
0x18e: {  	v26 =	vand.u32 $0xFFFFF800, v26;
	v25 =	vand.u32 $0x380, v25  }
0x18f: {  	v25 =	vor.u32 v26, v25  }
0x190: {  	v25 =	vor.u32 v8, v25;
	_ =	sdelay $0x4  }
0x191: {  	[tilespmem:v25+s15+$0x0] =	vst.idx.msk $0xffff, v5  }
0x192: {  	v25 =	vld [tilespmem:$0x12340];
	_ =	sdelay $0x4  }
0x193: {  	v26 =	vshll.u32 v25, $0x8;
	v25 =	vshll.u32 v25, $0x7  }
0x194: {  	v26 =	vand.u32 $0xFFFFF800, v26;
	v25 =	vand.u32 $0x380, v25  }
0x195: {  	v25 =	vor.u32 v26, v25  }
0x196: {  	v25 =	vor.u32 v9, v25;
	_ =	sdelay $0x4  }
0x197: {  	[tilespmem:v25+s15+$0x0] =	vst.idx.msk $0xffff, v5  }
0x198: {  	v25 =	vld [tilespmem:$0x12350];
	_ =	sdelay $0x4  }
0x199: {  	v26 =	vshll.u32 v25, $0x8;
	v25 =	vshll.u32 v25, $0x7  }
0x19a: {  	v26 =	vand.u32 $0xFFFFF800, v26;
	v25 =	vand.u32 $0x380, v25  }
0x19b: {  	v25 =	vor.u32 v26, v25  }
0x19c: {  	v25 =	vor.u32 v10, v25;
	_ =	sdelay $0x4  }
0x19d: {  	[tilespmem:v25+s15+$0x0] =	vst.idx.msk $0xffff, v5  }
0x19e: {  	v25 =	vld [tilespmem:$0x12360];
	_ =	sdelay $0x4  }
0x19f: {  	v26 =	vshll.u32 v25, $0x8;
	v25 =	vshll.u32 v25, $0x7  }
0x1a0: {  	v26 =	vand.u32 $0xFFFFF800, v26;
	v25 =	vand.u32 $0x380, v25  }
0x1a1: {  	v25 =	vor.u32 v26, v25  }
0x1a2: {  	v25 =	vor.u32 v11, v25;
	_ =	sdelay $0x4  }
0x1a3: {  	[tilespmem:v25+s15+$0x0] =	vst.idx.msk $0xffff, v5  }
0x1a4: {  	v25 =	vld [tilespmem:$0x12370];
	_ =	sdelay $0x4  }
0x1a5: {  	v26 =	vshll.u32 v25, $0x8;
	v25 =	vshll.u32 v25, $0x7  }
0x1a6: {  	v26 =	vand.u32 $0xFFFFF800, v26;
	v25 =	vand.u32 $0x380, v25  }
0x1a7: {  	v25 =	vor.u32 v26, v25  }
0x1a8: {  	v25 =	vor.u32 v12, v25;
	_ =	sdelay $0x4  }
0x1a9: {  	[tilespmem:v25+s15+$0x0] =	vst.idx.msk $0xffff, v5  }
0x1aa: {  	v25 =	vld [tilespmem:$0x12380];
	_ =	sdelay $0x4  }
0x1ab: {  	v26 =	vshll.u32 v25, $0x8;
	v25 =	vshll.u32 v25, $0x7  }
0x1ac: {  	v26 =	vand.u32 $0xFFFFF800, v26;
	v25 =	vand.u32 $0x380, v25  }
0x1ad: {  	v25 =	vor.u32 v25, v26  }
0x1ae: {  	v25 =	vor.u32 v13, v25;
	_ =	sdelay $0x4  }
0x1af: {  	[tilespmem:v25+s15+$0x0] =	vst.idx.msk $0xffff, v5  }
0x1b0: {  	v25 =	vld [tilespmem:$0x12390];
	_ =	sdelay $0x4  }
0x1b1: {  	v26 =	vshll.u32 v25, $0x8;
	v25 =	vshll.u32 v25, $0x7  }
0x1b2: {  	v26 =	vand.u32 $0xFFFFF800, v26;
	v25 =	vand.u32 $0x380, v25  }
0x1b3: {  	v25 =	vor.u32 v25, v26  }
0x1b4: {  	v25 =	vor.u32 v14, v25;
	_ =	sdelay $0x4  }
0x1b5: {  	[tilespmem:v25+s15+$0x0] =	vst.idx.msk $0xffff, v5  }
0x1b6: {  	v25 =	vld [tilespmem:$0x123A0];
	_ =	sdelay $0x4  }
0x1b7: {  	v26 =	vshll.u32 v25, $0x8;
	v25 =	vshll.u32 v25, $0x7  }
0x1b8: {  	v26 =	vand.u32 $0xFFFFF800, v26;
	v25 =	vand.u32 $0x380, v25  }
0x1b9: {  	v25 =	vor.u32 v25, v26  }
0x1ba: {  	v25 =	vor.u32 v15, v25;
	_ =	sdelay $0x4  }
0x1bb: {  	[tilespmem:v25+s15+$0x0] =	vst.idx.msk $0xffff, v5  }
0x1bc: {  	v25 =	vld [tilespmem:$0x123B0];
	_ =	sdelay $0x4  }
0x1bd: {  	v26 =	vshll.u32 v25, $0x8;
	v25 =	vshll.u32 v25, $0x7  }
0x1be: {  	v26 =	vand.u32 $0xFFFFF800, v26;
	v25 =	vand.u32 $0x380, v25  }
0x1bf: {  	v25 =	vor.u32 v25, v26  }
0x1c0: {  	v25 =	vor.u32 v16, v25;
	_ =	sdelay $0x4  }
0x1c1: {  	[tilespmem:v25+s15+$0x0] =	vst.idx.msk $0xffff, v5  }
0x1c2: {  	v25 =	vld [tilespmem:$0x123C0];
	_ =	sdelay $0x4  }
0x1c3: {  	v26 =	vshll.u32 v25, $0x8;
	v25 =	vshll.u32 v25, $0x7  }
0x1c4: {  	v26 =	vand.u32 $0xFFFFF800, v26;
	v25 =	vand.u32 $0x380, v25  }
0x1c5: {  	v25 =	vor.u32 v25, v26  }
0x1c6: {  	v25 =	vor.u32 v17, v25;
	_ =	sdelay $0x4  }
0x1c7: {  	[tilespmem:v25+s15+$0x0] =	vst.idx.msk $0xffff, v5  }
0x1c8: {  	v25 =	vld [tilespmem:$0x123D0];
	_ =	sdelay $0x4  }
0x1c9: {  	v26 =	vshll.u32 v25, $0x8;
	v25 =	vshll.u32 v25, $0x7  }
0x1ca: {  	v26 =	vand.u32 $0xFFFFF800, v26;
	v25 =	vand.u32 $0x380, v25  }
0x1cb: {  	v25 =	vor.u32 v25, v26  }
0x1cc: {  	v25 =	vor.u32 v18, v25;
	_ =	sdelay $0x4  }
0x1cd: {  	[tilespmem:v25+s15+$0x0] =	vst.idx.msk $0xffff, v5  }
0x1ce: {  	v25 =	vld [tilespmem:$0x123E0];
	_ =	sdelay $0x4  }
0x1cf: {  	v26 =	vshll.u32 v25, $0x8;
	v25 =	vshll.u32 v25, $0x7  }
0x1d0: {  	v26 =	vand.u32 $0xFFFFF800, v26;
	v25 =	vand.u32 $0x380, v25  }
0x1d1: {  	v25 =	vor.u32 v25, v26  }
0x1d2: {  	v25 =	vor.u32 v20, v25;
	_ =	sdelay $0x4  }
0x1d3: {  	[tilespmem:v25+s15+$0x0] =	vst.idx.msk $0xffff, v5  }
0x1d4: {  	v25 =	vld [tilespmem:$0x123F0];
	_ =	sdelay $0x4  }
0x1d5: {  	v26 =	vshll.u32 v25, $0x8;
	v25 =	vshll.u32 v25, $0x7  }
0x1d6: {  	v26 =	vand.u32 $0xFFFFF800, v26;
	v25 =	vand.u32 $0x380, v25  }
0x1d7: {  	v25 =	vor.u32 v25, v26  }
0x1d8: {  	v25 =	vor.u32 v21, v25  }
.Ltmp7:
0x1d9: {  	_ = 	snop;
	(pc) =	sbr.rel .LBB2_10-.Ltmp7, $2  }
0x1da: {  	_ =	sdelay $0x2  }
0x1db: {  	[tilespmem:v25+s15+$0x0] =	vst.idx.msk $0xffff, v5  }
.LBB2_5:
.Ltmp8:
0x1dc: {  	(pc) =	sbr.rel @p0 .LBB2_7-.Ltmp8, $1  }
0x1dd: {  	_ =	sdelay $0x3  }
0x1de: {  	_ =	swait.ge [sflag:s22], $0x4800  }
0x1df: {  	[sflag:s22] =	ssyncset.done $0x0  }
0x1e0: {  	[sflag:s22] =	ssyncadd.s32 $0xFFFFB800  }
0x1e1: {  	v25 =	vld [tilespmem:$0x12200];
	_ =	sdelay $0x4  }
0x1e2: {  	v26 =	vshll.u32 v25, $0x8;
	v25 =	vshll.u32 v25, $0x7  }
0x1e3: {  	v26 =	vand.u32 $0xFFFFF800, v26;
	v25 =	vand.u32 $0x380, v25  }
0x1e4: {  	v25 =	vor.u32 v26, v25  }
0x1e5: {  	v25 =	vor.u32 v3, v25;
	_ =	sdelay $0x4  }
0x1e6: {  	[tilespmem:v25+s14+$0x0] =	vst.idx.msk $0xffff, v5  }
0x1e7: {  	v25 =	vld [tilespmem:$0x12210];
	_ =	sdelay $0x4  }
0x1e8: {  	v26 =	vshll.u32 v25, $0x8;
	v25 =	vshll.u32 v25, $0x7  }
0x1e9: {  	v26 =	vand.u32 $0xFFFFF800, v26;
	v25 =	vand.u32 $0x380, v25  }
0x1ea: {  	v25 =	vor.u32 v26, v25  }
0x1eb: {  	v25 =	vor.u32 v6, v25;
	_ =	sdelay $0x4  }
0x1ec: {  	[tilespmem:v25+s14+$0x0] =	vst.idx.msk $0xffff, v5  }
0x1ed: {  	v25 =	vld [tilespmem:$0x12220];
	_ =	sdelay $0x4  }
0x1ee: {  	v26 =	vshll.u32 v25, $0x8;
	v25 =	vshll.u32 v25, $0x7  }
0x1ef: {  	v26 =	vand.u32 $0xFFFFF800, v26;
	v25 =	vand.u32 $0x380, v25  }
0x1f0: {  	v25 =	vor.u32 v26, v25  }
0x1f1: {  	v25 =	vor.u32 v7, v25;
	_ =	sdelay $0x4  }
0x1f2: {  	[tilespmem:v25+s14+$0x0] =	vst.idx.msk $0xffff, v5  }
0x1f3: {  	v25 =	vld [tilespmem:$0x12230];
	_ =	sdelay $0x4  }
0x1f4: {  	v26 =	vshll.u32 v25, $0x8;
	v25 =	vshll.u32 v25, $0x7  }
0x1f5: {  	v26 =	vand.u32 $0xFFFFF800, v26;
	v25 =	vand.u32 $0x380, v25  }
0x1f6: {  	v25 =	vor.u32 v26, v25  }
0x1f7: {  	v25 =	vor.u32 v8, v25;
	_ =	sdelay $0x4  }
0x1f8: {  	[tilespmem:v25+s14+$0x0] =	vst.idx.msk $0xffff, v5  }
0x1f9: {  	v25 =	vld [tilespmem:$0x12240];
	_ =	sdelay $0x4  }
0x1fa: {  	v26 =	vshll.u32 v25, $0x8;
	v25 =	vshll.u32 v25, $0x7  }
0x1fb: {  	v26 =	vand.u32 $0xFFFFF800, v26;
	v25 =	vand.u32 $0x380, v25  }
0x1fc: {  	v25 =	vor.u32 v26, v25  }
0x1fd: {  	v25 =	vor.u32 v9, v25;
	_ =	sdelay $0x4  }
0x1fe: {  	[tilespmem:v25+s14+$0x0] =	vst.idx.msk $0xffff, v5  }
0x1ff: {  	v25 =	vld [tilespmem:$0x12250];
	_ =	sdelay $0x4  }
0x200: {  	v26 =	vshll.u32 v25, $0x8;
	v25 =	vshll.u32 v25, $0x7  }
0x201: {  	v26 =	vand.u32 $0xFFFFF800, v26;
	v25 =	vand.u32 $0x380, v25  }
0x202: {  	v25 =	vor.u32 v26, v25  }
0x203: {  	v25 =	vor.u32 v10, v25;
	_ =	sdelay $0x4  }
0x204: {  	[tilespmem:v25+s14+$0x0] =	vst.idx.msk $0xffff, v5  }
0x205: {  	v25 =	vld [tilespmem:$0x12260];
	_ =	sdelay $0x4  }
0x206: {  	v26 =	vshll.u32 v25, $0x8;
	v25 =	vshll.u32 v25, $0x7  }
0x207: {  	v26 =	vand.u32 $0xFFFFF800, v26;
	v25 =	vand.u32 $0x380, v25  }
0x208: {  	v25 =	vor.u32 v26, v25  }
0x209: {  	v25 =	vor.u32 v11, v25;
	_ =	sdelay $0x4  }
0x20a: {  	[tilespmem:v25+s14+$0x0] =	vst.idx.msk $0xffff, v5  }
0x20b: {  	v25 =	vld [tilespmem:$0x12270];
	_ =	sdelay $0x4  }
0x20c: {  	v26 =	vshll.u32 v25, $0x8;
	v25 =	vshll.u32 v25, $0x7  }
0x20d: {  	v26 =	vand.u32 $0xFFFFF800, v26;
	v25 =	vand.u32 $0x380, v25  }
0x20e: {  	v25 =	vor.u32 v26, v25  }
0x20f: {  	v25 =	vor.u32 v12, v25;
	_ =	sdelay $0x4  }
0x210: {  	[tilespmem:v25+s14+$0x0] =	vst.idx.msk $0xffff, v5  }
0x211: {  	v25 =	vld [tilespmem:$0x12280];
	_ =	sdelay $0x4  }
0x212: {  	v26 =	vshll.u32 v25, $0x8;
	v25 =	vshll.u32 v25, $0x7  }
0x213: {  	v26 =	vand.u32 $0xFFFFF800, v26;
	v25 =	vand.u32 $0x380, v25  }
0x214: {  	v25 =	vor.u32 v25, v26  }
0x215: {  	v25 =	vor.u32 v13, v25;
	_ =	sdelay $0x4  }
0x216: {  	[tilespmem:v25+s14+$0x0] =	vst.idx.msk $0xffff, v5  }
0x217: {  	v25 =	vld [tilespmem:$0x12290];
	_ =	sdelay $0x4  }
0x218: {  	v26 =	vshll.u32 v25, $0x8;
	v25 =	vshll.u32 v25, $0x7  }
0x219: {  	v26 =	vand.u32 $0xFFFFF800, v26;
	v25 =	vand.u32 $0x380, v25  }
0x21a: {  	v25 =	vor.u32 v25, v26  }
0x21b: {  	v25 =	vor.u32 v14, v25;
	_ =	sdelay $0x4  }
0x21c: {  	[tilespmem:v25+s14+$0x0] =	vst.idx.msk $0xffff, v5  }
0x21d: {  	v25 =	vld [tilespmem:$0x122A0];
	_ =	sdelay $0x4  }
0x21e: {  	v26 =	vshll.u32 v25, $0x8;
	v25 =	vshll.u32 v25, $0x7  }
0x21f: {  	v26 =	vand.u32 $0xFFFFF800, v26;
	v25 =	vand.u32 $0x380, v25  }
0x220: {  	v25 =	vor.u32 v25, v26  }
0x221: {  	v25 =	vor.u32 v15, v25;
	_ =	sdelay $0x4  }
0x222: {  	[tilespmem:v25+s14+$0x0] =	vst.idx.msk $0xffff, v5  }
0x223: {  	v25 =	vld [tilespmem:$0x122B0];
	_ =	sdelay $0x4  }
0x224: {  	v26 =	vshll.u32 v25, $0x8;
	v25 =	vshll.u32 v25, $0x7  }
0x225: {  	v26 =	vand.u32 $0xFFFFF800, v26;
	v25 =	vand.u32 $0x380, v25  }
0x226: {  	v25 =	vor.u32 v25, v26  }
0x227: {  	v25 =	vor.u32 v16, v25;
	_ =	sdelay $0x4  }
0x228: {  	[tilespmem:v25+s14+$0x0] =	vst.idx.msk $0xffff, v5  }
0x229: {  	v25 =	vld [tilespmem:$0x122C0];
	_ =	sdelay $0x4  }
0x22a: {  	v26 =	vshll.u32 v25, $0x8;
	v25 =	vshll.u32 v25, $0x7  }
0x22b: {  	v26 =	vand.u32 $0xFFFFF800, v26;
	v25 =	vand.u32 $0x380, v25  }
0x22c: {  	v25 =	vor.u32 v25, v26  }
0x22d: {  	v25 =	vor.u32 v17, v25;
	_ =	sdelay $0x4  }
0x22e: {  	[tilespmem:v25+s14+$0x0] =	vst.idx.msk $0xffff, v5  }
0x22f: {  	v25 =	vld [tilespmem:$0x122D0];
	_ =	sdelay $0x4  }
0x230: {  	v26 =	vshll.u32 v25, $0x8;
	v25 =	vshll.u32 v25, $0x7  }
0x231: {  	v26 =	vand.u32 $0xFFFFF800, v26;
	v25 =	vand.u32 $0x380, v25  }
0x232: {  	v25 =	vor.u32 v25, v26  }
0x233: {  	v25 =	vor.u32 v18, v25;
	_ =	sdelay $0x4  }
0x234: {  	[tilespmem:v25+s14+$0x0] =	vst.idx.msk $0xffff, v5  }
0x235: {  	v25 =	vld [tilespmem:$0x122E0];
	_ =	sdelay $0x4  }
0x236: {  	v26 =	vshll.u32 v25, $0x8;
	v25 =	vshll.u32 v25, $0x7  }
0x237: {  	v26 =	vand.u32 $0xFFFFF800, v26;
	v25 =	vand.u32 $0x380, v25  }
0x238: {  	v25 =	vor.u32 v25, v26  }
0x239: {  	v25 =	vor.u32 v20, v25;
	_ =	sdelay $0x4  }
0x23a: {  	[tilespmem:v25+s14+$0x0] =	vst.idx.msk $0xffff, v5  }
0x23b: {  	v25 =	vld [tilespmem:$0x122F0];
	_ =	sdelay $0x4  }
0x23c: {  	v26 =	vshll.u32 v25, $0x8;
	v25 =	vshll.u32 v25, $0x7  }
0x23d: {  	v26 =	vand.u32 $0xFFFFF800, v26;
	v25 =	vand.u32 $0x380, v25  }
0x23e: {  	v25 =	vor.u32 v25, v26  }
0x23f: {  	v25 =	vor.u32 v21, v25;
	_ =	sdelay $0x4  }
0x240: {  	[tilespmem:v25+s14+$0x0] =	vst.idx.msk $0xffff, v5  }
.LBB2_7:
0x241: {  	_ =	swait.ge [sflag:s23], $0x100  }
0x242: {  	[sflag:s23] =	ssyncset.done $0x0  }
0x243: {  	[sflag:s23] =	ssyncadd.s32 $0xFFFFFF00  }
0x244: {  	v25 =	vld [tilespmem:$0x9000];
	_ =	sdelay $0x4  }
0x245: {  	v25 =	vsub.f32 v25, v23;
	_ =	sdelay $0x1  }
0x246: {  	v25 =	vmul.f32 v25, v24;
	_ =	sdelay $0x1  }
0x247: {  	v25 =	vtrunc.f32 v25  }
0x248: {  	v25 =	vcvt.f32.s32 v25;
	_ =	sdelay $0x1  }
0x249: {  	v25 =	vadd.s32 $0x1, v25  }
0x24a: {  	vm0 =	vlt.s32 v25, $0x40  }
0x24b: {  	v25 =	vnsel vm0, $0x40, v25  }
0x24c: {  	v26 =	vshll.u32 v25, $0x8;
	v27 =	vshll.u32 v25, $0x7  }
0x24d: {  	v26 =	vand.u32 $0xFFFFF800, v26;
	v27 =	vand.u32 $0x380, v27  }
0x24e: {  	v26 =	vor.u32 v26, v27  }
0x24f: {  	v26 =	vor.u32 v3, v26;
	_ =	sdelay $0x3  }
0x250: {  	[tilespmem:$0x12200] =	vst v25  }
0x251: {  	[tilespmem:v26+s14+$0x0] =	vst.idx.msk $0xffff, v22  }
0x252: {  	v25 =	vld [tilespmem:$0x9010];
	_ =	sdelay $0x4  }
0x253: {  	v25 =	vsub.f32 v25, v23;
	_ =	sdelay $0x1  }
0x254: {  	v25 =	vmul.f32 v25, v24;
	_ =	sdelay $0x1  }
0x255: {  	v25 =	vtrunc.f32 v25  }
0x256: {  	v25 =	vcvt.f32.s32 v25;
	_ =	sdelay $0x1  }
0x257: {  	v25 =	vadd.s32 $0x1, v25  }
0x258: {  	vm13 =	vlt.s32 v25, $0x40  }
0x259: {  	v25 =	vnsel vm13, $0x40, v25  }
0x25a: {  	v26 =	vshll.u32 v25, $0x8;
	v27 =	vshll.u32 v25, $0x7  }
0x25b: {  	v26 =	vand.u32 $0xFFFFF800, v26;
	v27 =	vand.u32 $0x380, v27  }
0x25c: {  	v26 =	vor.u32 v26, v27  }
0x25d: {  	v26 =	vor.u32 v6, v26;
	_ =	sdelay $0x3  }
0x25e: {  	[tilespmem:$0x12210] =	vst v25  }
0x25f: {  	[tilespmem:v26+s14+$0x0] =	vst.idx.msk $0xffff, v22  }
0x260: {  	v25 =	vld [tilespmem:$0x9020];
	_ =	sdelay $0x4  }
0x261: {  	v25 =	vsub.f32 v25, v23;
	_ =	sdelay $0x1  }
0x262: {  	v25 =	vmul.f32 v25, v24;
	_ =	sdelay $0x1  }
0x263: {  	v25 =	vtrunc.f32 v25  }
0x264: {  	v25 =	vcvt.f32.s32 v25;
	_ =	sdelay $0x1  }
0x265: {  	v25 =	vadd.s32 $0x1, v25  }
0x266: {  	vm14 =	vlt.s32 v25, $0x40  }
0x267: {  	v25 =	vnsel vm14, $0x40, v25  }
0x268: {  	v26 =	vshll.u32 v25, $0x8;
	v27 =	vshll.u32 v25, $0x7  }
0x269: {  	v26 =	vand.u32 $0xFFFFF800, v26;
	v27 =	vand.u32 $0x380, v27  }
0x26a: {  	v26 =	vor.u32 v26, v27  }
0x26b: {  	v26 =	vor.u32 v7, v26;
	_ =	sdelay $0x3  }
0x26c: {  	[tilespmem:$0x12220] =	vst v25  }
0x26d: {  	[tilespmem:v26+s14+$0x0] =	vst.idx.msk $0xffff, v22  }
0x26e: {  	v25 =	vld [tilespmem:$0x9030];
	_ =	sdelay $0x4  }
0x26f: {  	v25 =	vsub.f32 v25, v23;
	_ =	sdelay $0x1  }
0x270: {  	v25 =	vmul.f32 v25, v24;
	_ =	sdelay $0x1  }
0x271: {  	v25 =	vtrunc.f32 v25  }
0x272: {  	v25 =	vcvt.f32.s32 v25;
	_ =	sdelay $0x1  }
0x273: {  	v25 =	vadd.s32 $0x1, v25  }
0x274: {  	vm15 =	vlt.s32 v25, $0x40  }
0x275: {  	v25 =	vnsel vm15, $0x40, v25  }
0x276: {  	v26 =	vshll.u32 v25, $0x8;
	v27 =	vshll.u32 v25, $0x7  }
0x277: {  	v26 =	vand.u32 $0xFFFFF800, v26;
	v27 =	vand.u32 $0x380, v27  }
0x278: {  	v26 =	vor.u32 v26, v27  }
0x279: {  	v26 =	vor.u32 v8, v26;
	_ =	sdelay $0x3  }
0x27a: {  	[tilespmem:$0x12230] =	vst v25  }
0x27b: {  	[tilespmem:v26+s14+$0x0] =	vst.idx.msk $0xffff, v22  }
0x27c: {  	v25 =	vld [tilespmem:$0x9040];
	_ =	sdelay $0x4  }
0x27d: {  	v25 =	vsub.f32 v25, v23;
	_ =	sdelay $0x1  }
0x27e: {  	v25 =	vmul.f32 v25, v24;
	_ =	sdelay $0x1  }
0x27f: {  	v25 =	vtrunc.f32 v25  }
0x280: {  	v25 =	vcvt.f32.s32 v25;
	_ =	sdelay $0x1  }
0x281: {  	v25 =	vadd.s32 $0x1, v25  }
0x282: {  	vm4 =	vlt.s32 v25, $0x40  }
0x283: {  	v25 =	vnsel vm4, $0x40, v25  }
0x284: {  	v26 =	vshll.u32 v25, $0x8;
	v27 =	vshll.u32 v25, $0x7  }
0x285: {  	v26 =	vand.u32 $0xFFFFF800, v26;
	v27 =	vand.u32 $0x380, v27  }
0x286: {  	v26 =	vor.u32 v26, v27  }
0x287: {  	v26 =	vor.u32 v9, v26;
	_ =	sdelay $0x3  }
0x288: {  	[tilespmem:$0x12240] =	vst v25  }
0x289: {  	[tilespmem:v26+s14+$0x0] =	vst.idx.msk $0xffff, v22  }
0x28a: {  	v25 =	vld [tilespmem:$0x9050];
	_ =	sdelay $0x4  }
0x28b: {  	v25 =	vsub.f32 v25, v23;
	_ =	sdelay $0x1  }
0x28c: {  	v25 =	vmul.f32 v25, v24;
	_ =	sdelay $0x1  }
0x28d: {  	v25 =	vtrunc.f32 v25  }
0x28e: {  	v25 =	vcvt.f32.s32 v25;
	_ =	sdelay $0x1  }
0x28f: {  	v25 =	vadd.s32 $0x1, v25  }
0x290: {  	vm5 =	vlt.s32 v25, $0x40  }
0x291: {  	v25 =	vnsel vm5, $0x40, v25  }
0x292: {  	v26 =	vshll.u32 v25, $0x8;
	v27 =	vshll.u32 v25, $0x7  }
0x293: {  	v26 =	vand.u32 $0xFFFFF800, v26;
	v27 =	vand.u32 $0x380, v27  }
0x294: {  	v26 =	vor.u32 v26, v27  }
0x295: {  	v26 =	vor.u32 v10, v26;
	_ =	sdelay $0x3  }
0x296: {  	[tilespmem:$0x12250] =	vst v25  }
0x297: {  	[tilespmem:v26+s14+$0x0] =	vst.idx.msk $0xffff, v22  }
0x298: {  	v25 =	vld [tilespmem:$0x9060];
	_ =	sdelay $0x4  }
0x299: {  	v25 =	vsub.f32 v25, v23;
	_ =	sdelay $0x1  }
0x29a: {  	v25 =	vmul.f32 v25, v24;
	_ =	sdelay $0x1  }
0x29b: {  	v25 =	vtrunc.f32 v25  }
0x29c: {  	v25 =	vcvt.f32.s32 v25;
	_ =	sdelay $0x1  }
0x29d: {  	v25 =	vadd.s32 $0x1, v25  }
0x29e: {  	vm6 =	vlt.s32 v25, $0x40  }
0x29f: {  	v25 =	vnsel vm6, $0x40, v25  }
0x2a0: {  	v26 =	vshll.u32 v25, $0x8;
	v27 =	vshll.u32 v25, $0x7  }
0x2a1: {  	v26 =	vand.u32 $0xFFFFF800, v26;
	v27 =	vand.u32 $0x380, v27  }
0x2a2: {  	v26 =	vor.u32 v26, v27  }
0x2a3: {  	v26 =	vor.u32 v11, v26;
	_ =	sdelay $0x3  }
0x2a4: {  	[tilespmem:$0x12260] =	vst v25  }
0x2a5: {  	[tilespmem:v26+s14+$0x0] =	vst.idx.msk $0xffff, v22  }
0x2a6: {  	v25 =	vld [tilespmem:$0x9070];
	_ =	sdelay $0x4  }
0x2a7: {  	v25 =	vsub.f32 v25, v23;
	_ =	sdelay $0x1  }
0x2a8: {  	v25 =	vmul.f32 v25, v24;
	_ =	sdelay $0x1  }
0x2a9: {  	v25 =	vtrunc.f32 v25  }
0x2aa: {  	v25 =	vcvt.f32.s32 v25;
	_ =	sdelay $0x1  }
0x2ab: {  	v25 =	vadd.s32 $0x1, v25  }
0x2ac: {  	vm7 =	vlt.s32 v25, $0x40  }
0x2ad: {  	v25 =	vnsel vm7, $0x40, v25  }
0x2ae: {  	v26 =	vshll.u32 v25, $0x8;
	v27 =	vshll.u32 v25, $0x7  }
0x2af: {  	v26 =	vand.u32 $0xFFFFF800, v26;
	v27 =	vand.u32 $0x380, v27  }
0x2b0: {  	v26 =	vor.u32 v26, v27  }
0x2b1: {  	v26 =	vor.u32 v12, v26;
	_ =	sdelay $0x3  }
0x2b2: {  	[tilespmem:$0x12270] =	vst v25  }
0x2b3: {  	[tilespmem:v26+s14+$0x0] =	vst.idx.msk $0xffff, v22  }
0x2b4: {  	v25 =	vld [tilespmem:$0x9080];
	_ =	sdelay $0x4  }
0x2b5: {  	v25 =	vsub.f32 v25, v23;
	_ =	sdelay $0x1  }
0x2b6: {  	v25 =	vmul.f32 v25, v24;
	_ =	sdelay $0x1  }
0x2b7: {  	v25 =	vtrunc.f32 v25  }
0x2b8: {  	v25 =	vcvt.f32.s32 v25;
	_ =	sdelay $0x1  }
0x2b9: {  	v25 =	vadd.s32 $0x1, v25  }
0x2ba: {  	vm8 =	vlt.s32 v25, $0x40  }
0x2bb: {  	v25 =	vnsel vm8, $0x40, v25  }
0x2bc: {  	v26 =	vshll.u32 v25, $0x8;
	v27 =	vshll.u32 v25, $0x7  }
0x2bd: {  	v26 =	vand.u32 $0xFFFFF800, v26;
	v27 =	vand.u32 $0x380, v27  }
0x2be: {  	v26 =	vor.u32 v27, v26  }
0x2bf: {  	v26 =	vor.u32 v13, v26;
	_ =	sdelay $0x3  }
0x2c0: {  	[tilespmem:$0x12280] =	vst v25  }
0x2c1: {  	[tilespmem:v26+s14+$0x0] =	vst.idx.msk $0xffff, v22  }
0x2c2: {  	v25 =	vld [tilespmem:$0x9090];
	_ =	sdelay $0x4  }
0x2c3: {  	v25 =	vsub.f32 v25, v23;
	_ =	sdelay $0x1  }
0x2c4: {  	v25 =	vmul.f32 v25, v24;
	_ =	sdelay $0x1  }
0x2c5: {  	v25 =	vtrunc.f32 v25  }
0x2c6: {  	v25 =	vcvt.f32.s32 v25;
	_ =	sdelay $0x1  }
0x2c7: {  	v25 =	vadd.s32 $0x1, v25  }
0x2c8: {  	vm9 =	vlt.s32 v25, $0x40  }
0x2c9: {  	v25 =	vnsel vm9, $0x40, v25  }
0x2ca: {  	v26 =	vshll.u32 v25, $0x8;
	v27 =	vshll.u32 v25, $0x7  }
0x2cb: {  	v26 =	vand.u32 $0xFFFFF800, v26;
	v27 =	vand.u32 $0x380, v27  }
0x2cc: {  	v26 =	vor.u32 v27, v26  }
0x2cd: {  	v26 =	vor.u32 v14, v26;
	_ =	sdelay $0x3  }
0x2ce: {  	[tilespmem:$0x12290] =	vst v25  }
0x2cf: {  	[tilespmem:v26+s14+$0x0] =	vst.idx.msk $0xffff, v22  }
0x2d0: {  	v25 =	vld [tilespmem:$0x90A0];
	_ =	sdelay $0x4  }
0x2d1: {  	v25 =	vsub.f32 v25, v23;
	_ =	sdelay $0x1  }
0x2d2: {  	v25 =	vmul.f32 v25, v24;
	_ =	sdelay $0x1  }
0x2d3: {  	v25 =	vtrunc.f32 v25  }
0x2d4: {  	v25 =	vcvt.f32.s32 v25;
	_ =	sdelay $0x1  }
0x2d5: {  	v25 =	vadd.s32 $0x1, v25  }
0x2d6: {  	vm10 =	vlt.s32 v25, $0x40  }
0x2d7: {  	v25 =	vnsel vm10, $0x40, v25  }
0x2d8: {  	v26 =	vshll.u32 v25, $0x8;
	v27 =	vshll.u32 v25, $0x7  }
0x2d9: {  	v26 =	vand.u32 $0xFFFFF800, v26;
	v27 =	vand.u32 $0x380, v27  }
0x2da: {  	v26 =	vor.u32 v27, v26  }
0x2db: {  	v26 =	vor.u32 v15, v26;
	_ =	sdelay $0x3  }
0x2dc: {  	[tilespmem:$0x122A0] =	vst v25  }
0x2dd: {  	[tilespmem:v26+s14+$0x0] =	vst.idx.msk $0xffff, v22  }
0x2de: {  	v25 =	vld [tilespmem:$0x90B0];
	_ =	sdelay $0x4  }
0x2df: {  	v25 =	vsub.f32 v25, v23;
	_ =	sdelay $0x1  }
0x2e0: {  	v25 =	vmul.f32 v25, v24;
	_ =	sdelay $0x1  }
0x2e1: {  	v25 =	vtrunc.f32 v25  }
0x2e2: {  	v25 =	vcvt.f32.s32 v25;
	_ =	sdelay $0x1  }
0x2e3: {  	v25 =	vadd.s32 $0x1, v25  }
0x2e4: {  	vm11 =	vlt.s32 v25, $0x40  }
0x2e5: {  	v25 =	vnsel vm11, $0x40, v25  }
0x2e6: {  	v26 =	vshll.u32 v25, $0x8;
	v27 =	vshll.u32 v25, $0x7  }
0x2e7: {  	v26 =	vand.u32 $0xFFFFF800, v26;
	v27 =	vand.u32 $0x380, v27  }
0x2e8: {  	v26 =	vor.u32 v27, v26  }
0x2e9: {  	v26 =	vor.u32 v16, v26;
	_ =	sdelay $0x3  }
0x2ea: {  	[tilespmem:$0x122B0] =	vst v25  }
0x2eb: {  	[tilespmem:v26+s14+$0x0] =	vst.idx.msk $0xffff, v22  }
0x2ec: {  	v25 =	vld [tilespmem:$0x90C0];
	_ =	sdelay $0x4  }
0x2ed: {  	v25 =	vsub.f32 v25, v23;
	_ =	sdelay $0x1  }
0x2ee: {  	v25 =	vmul.f32 v25, v24;
	_ =	sdelay $0x1  }
0x2ef: {  	v25 =	vtrunc.f32 v25  }
0x2f0: {  	v25 =	vcvt.f32.s32 v25;
	_ =	sdelay $0x1  }
0x2f1: {  	v25 =	vadd.s32 $0x1, v25  }
0x2f2: {  	vm12 =	vlt.s32 v25, $0x40  }
0x2f3: {  	v25 =	vnsel vm12, $0x40, v25  }
0x2f4: {  	v26 =	vshll.u32 v25, $0x8;
	v27 =	vshll.u32 v25, $0x7  }
0x2f5: {  	v26 =	vand.u32 $0xFFFFF800, v26;
	v27 =	vand.u32 $0x380, v27  }
0x2f6: {  	v26 =	vor.u32 v27, v26  }
0x2f7: {  	v26 =	vor.u32 v17, v26;
	_ =	sdelay $0x3  }
0x2f8: {  	[tilespmem:$0x122C0] =	vst v25  }
0x2f9: {  	[tilespmem:v26+s14+$0x0] =	vst.idx.msk $0xffff, v22  }
0x2fa: {  	v25 =	vld [tilespmem:$0x90D0];
	_ =	sdelay $0x4  }
0x2fb: {  	v25 =	vsub.f32 v25, v23;
	_ =	sdelay $0x1  }
0x2fc: {  	v25 =	vmul.f32 v25, v24;
	_ =	sdelay $0x1  }
0x2fd: {  	v25 =	vtrunc.f32 v25  }
0x2fe: {  	v25 =	vcvt.f32.s32 v25;
	_ =	sdelay $0x1  }
0x2ff: {  	v25 =	vadd.s32 $0x1, v25  }
0x300: {  	vm13 =	vlt.s32 v25, $0x40  }
0x301: {  	v25 =	vnsel vm13, $0x40, v25  }
0x302: {  	v26 =	vshll.u32 v25, $0x8;
	v27 =	vshll.u32 v25, $0x7  }
0x303: {  	v26 =	vand.u32 $0xFFFFF800, v26;
	v27 =	vand.u32 $0x380, v27  }
0x304: {  	v26 =	vor.u32 v27, v26  }
0x305: {  	v26 =	vor.u32 v18, v26;
	_ =	sdelay $0x3  }
0x306: {  	[tilespmem:$0x122D0] =	vst v25  }
0x307: {  	[tilespmem:v26+s14+$0x0] =	vst.idx.msk $0xffff, v22  }
0x308: {  	v25 =	vld [tilespmem:$0x90E0];
	_ =	sdelay $0x4  }
0x309: {  	v25 =	vsub.f32 v25, v23;
	_ =	sdelay $0x1  }
0x30a: {  	v25 =	vmul.f32 v25, v24;
	_ =	sdelay $0x1  }
0x30b: {  	v25 =	vtrunc.f32 v25  }
0x30c: {  	v25 =	vcvt.f32.s32 v25;
	_ =	sdelay $0x1  }
0x30d: {  	v25 =	vadd.s32 $0x1, v25  }
0x30e: {  	vm14 =	vlt.s32 v25, $0x40  }
0x30f: {  	v25 =	vnsel vm14, $0x40, v25  }
0x310: {  	v26 =	vshll.u32 v25, $0x8;
	v27 =	vshll.u32 v25, $0x7  }
0x311: {  	v26 =	vand.u32 $0xFFFFF800, v26;
	v27 =	vand.u32 $0x380, v27  }
0x312: {  	v26 =	vor.u32 v27, v26  }
0x313: {  	v26 =	vor.u32 v20, v26;
	_ =	sdelay $0x3  }
0x314: {  	[tilespmem:$0x122E0] =	vst v25  }
0x315: {  	[tilespmem:v26+s14+$0x0] =	vst.idx.msk $0xffff, v22  }
0x316: {  	v25 =	vld [tilespmem:$0x90F0];
	_ =	sdelay $0x4  }
0x317: {  	v25 =	vsub.f32 v25, v23;
	_ =	sdelay $0x1  }
0x318: {  	v25 =	vmul.f32 v25, v24;
	_ =	sdelay $0x1  }
0x319: {  	v25 =	vtrunc.f32 v25  }
0x31a: {  	v25 =	vcvt.f32.s32 v25;
	_ =	sdelay $0x1  }
0x31b: {  	v25 =	vadd.s32 $0x1, v25  }
0x31c: {  	vm15 =	vlt.s32 v25, $0x40  }
0x31d: {  	v25 =	vnsel vm15, $0x40, v25  }
0x31e: {  	v26 =	vshll.u32 v25, $0x8;
	v27 =	vshll.u32 v25, $0x7  }
0x31f: {  	v26 =	vand.u32 $0xFFFFF800, v26;
	v27 =	vand.u32 $0x380, v27  }
0x320: {  	v26 =	vor.u32 v27, v26  }
0x321: {  	v26 =	vor.u32 v21, v26;
	_ =	sdelay $0x3  }
.Ltmp9:
0x322: {  	p0 =	sgt.u32 s25, $0x3D;
	[tilespmem:$0x122F0] =	vst v25;
	(pc) =	sbr.rel .LBB2_11-.Ltmp9, $4  }
0x323: {  	s29 =	simm.s32 @!p0 $0x0;
	s30 =	simm.s32 @!p0 $0x9000;
	[tilespmem:v26+s14+$0x0] =	vst.idx.msk $0xffff, v22  }
0x324: {  	[tilespmem:s30], [sflag:$0x3] =	stream.linear.gather @!p0 [hbm4b:s26+s29], $0x100, $0x38;
	[tilespmem:$0x12420] =	vst v63  }
0x325: {  	_ = 	snop  }
0x326: {  	[hbm4b:s28+s20] =	stream.strided.scatter [tilespmem:s14], [sflag:$0x1], $0x4800, s21, s20, $0x38;
	[tilespmem:$0x12420] =	vst v63  }
.LBB2_13:
0x327: {  	_ =	sfence.sel $0x180000  }
0x328: {  	[bflag:$0x0] =	sbarrier.arrive $0xFFFF  }
0x329: {  	p0 =	sne.s32 s3, $0x0;
	_ =	strace $0x90000047  }
0x32a: {  	s0 =	sadd.s32 @!p0 $0x100000, s0;
	[bflag:$0x2] =	sbarrier.arrive $0xFFFF  }
0x32b: {  	[sflag:s0] =	ssyncadd.tile.s32 @!p0 $0x1;
	_ =	shalt  }
.Lfunc_end2:
_tile_overlayer_lowered:
.L_overlay_start_2:
0x32c: {  	(tag) =	ssettag $0x2  }
0x32d: {  	s0 =	rddreg [dreg:$0x0];
	s2 =	stileid.u32  }
0x32e: {  	s1 =	rddreg [dreg:$0x1];
	p0 =	sne.s32 s2, $0x0  }
0x32f: {  	s3 =	rddreg [dreg:$0x2];
	[bflag:$0x3] =	sbarrier.arrive $0xFFFF;
	s2 =	simm.s32 @!p0 $0x1C05  }
0x330: {  	[timem:s3], [sflag:s2] =	dma.local @!p0 [hbm:s0], s1  }
0x331: {  	s0 =	simm.s32 @!p0 $0x5  }
0x332: {  	_ =	swait.ge @!p0 [sflag:s0], s1  }
0x333: {  	s1 =	ssub.s32 @!p0 $0x0, s1;
	[sflag:s0] =	ssyncset.done @!p0 $0x0  }
0x334: {  	[sflag:s0] =	ssyncadd.s32 @!p0 s1  }
0x335: {  	[bflag:$0x3] =	sbarrier.arrive $0xFFFF  }
0x336: {  	_ =	shalt  }

</sc_bundles>
